<compile_context>
chip_gen: v7x
topology: tpu7x:2x2x1
jax: 0.10.2.dev20260603
libtpu: 0.0.44.dev20260713+nightly
codegen_flags: <defaults>
</compile_context>

<pallas_src>
import functools

import jax
import jax.numpy as jnp
from jax import lax
from jax.experimental import pallas as pl
from jax.experimental.pallas import tpu as pltpu
from jax.experimental.pallas import tpu_sc as plsc

K = 16
B = 64
PIX = 512 * 512
NW = 32
IMGS_PER_W = B // NW
ROWS = 32
CHUNK = ROWS * 512
CHUNKS_PER_IMG = PIX // CHUNK
NBUF = 2
LANES = 16
NV = 512 // LANES


def _take16(table, idx):
    dnums = lax.GatherDimensionNumbers(
        offset_dims=(), collapsed_slice_dims=(0,), start_index_map=(0,))
    return lax.gather(table, idx[:, None], dnums, (1,),
                      mode=lax.GatherScatterMode.PROMISE_IN_BOUNDS)


def _log_poly(z):
    bits = lax.bitcast_convert_type(z, jnp.int32)
    e = (bits >> 23) - 127
    m = lax.bitcast_convert_type((bits & 0x7FFFFF) | 0x3F800000, jnp.float32)
    cond = m > 1.4142135
    m = jnp.where(cond, m * 0.5, m)
    e = jnp.where(cond, e + 1, e)
    z2 = (m - 1.0) / (m + 1.0)
    w = z2 * z2
    poly = 1.0 + w * (1 / 3 + w * (1 / 5 + w * (1 / 7 + w * (1 / 9))))
    return 2.0 * z2 * poly + e.astype(jnp.float32) * 0.6931471805599453


def _softplus(x):
    return jnp.where(x > 20.0, x, _log_poly(1.0 + jnp.exp(x)))


def _tables(praw, ii):
    r0 = _take16(praw, jnp.zeros_like(ii))
    black = 0.025 / (1.0 + jnp.exp(-r0))
    s = jnp.where(ii >= 1, _softplus(praw) + 0.02, 0.0)
    c = s
    for sh in (1, 2, 4, 8):
        shifted = _take16(c, jnp.maximum(ii - sh, 0))
        c = c + jnp.where(ii >= sh, shifted, 0.0)
    last = _take16(c, jnp.full_like(ii, K - 1))
    curve = black + c / jnp.maximum(last, 1e-6) * (1.0 - black)
    nxt = _take16(curve, jnp.minimum(ii + 1, K - 1))
    d = nxt - curve
    a = curve - ii.astype(jnp.float32) * d
    return a, d


def _sc_body(x_hbm, raw_hbm, out_hbm, rawtab, ibuf, obuf, *sems):
    wid = lax.axis_index("s") * 2 + lax.axis_index("c")
    isems = sems[:NBUF]
    osems = sems[NBUF:]
    ii = lax.broadcasted_iota(jnp.int32, (LANES,), 0)

    for i in range(IMGS_PER_W):
        img = wid * IMGS_PER_W + i

        def in_copy(c, b):
            return pltpu.make_async_copy(
                x_hbm.at[img, pl.ds(c * ROWS, ROWS)], ibuf.at[b], isems[b])

        def out_copy(c, b):
            return pltpu.make_async_copy(
                obuf.at[b], out_hbm.at[img, pl.ds(c * ROWS, ROWS)], osems[b])

        for b in range(NBUF):
            in_copy(b, b).start()

        pltpu.sync_copy(raw_hbm.at[img], rawtab)
        av, dv = _tables(rawtab[...], ii)

        def group_body(cc, carry):
            for bsel in range(NBUF):
                c = cc * NBUF + bsel
                in_copy(c, bsel).wait()

                @pl.when(c >= NBUF)
                def _():
                    out_copy(c - NBUF, bsel).wait()

                @plsc.parallel_loop(0, CHUNK // LANES, step=1, unroll=8)
                def vreg_body(idx):
                    r = idx // NV
                    col = (idx % NV) * LANES
                    x = ibuf[bsel, r, pl.ds(col, LANES)]
                    t = x * (K - 1.0)
                    lo = t.astype(jnp.int32)
                    ag = _take16(av, lo)
                    dg = _take16(dv, lo)
                    obuf[bsel, r, pl.ds(col, LANES)] = ag + t * dg

                out_copy(c, bsel).start()

                @pl.when(c < CHUNKS_PER_IMG - NBUF)
                def _():
                    in_copy(c + NBUF, bsel).start()
            return carry

        lax.fori_loop(0, CHUNKS_PER_IMG // NBUF, group_body, 0)
        for b in range(NBUF):
            out_copy(CHUNKS_PER_IMG - NBUF + b, b).wait()


def _apply_curve(x3, raw_params):
    mesh = plsc.VectorSubcoreMesh(core_axis_name="c", subcore_axis_name="s")
    f = functools.partial(
        pl.kernel,
        mesh=mesh,
        out_type=jax.ShapeDtypeStruct((B, 512, 512), jnp.float32),
        scratch_types=[
            pltpu.VMEM((K,), jnp.float32),
            pltpu.VMEM((NBUF, ROWS, 512), jnp.float32),
            pltpu.VMEM((NBUF, ROWS, 512), jnp.float32),
        ] + [pltpu.SemaphoreType.DMA] * (2 * NBUF),
    )(_sc_body)
    return f(x3, raw_params)


def kernel(x01, raw_params):
    out = _apply_curve(x01.reshape(B, 512, 512), raw_params)
    return out.reshape(B, 1, 512, 512)

# --- scband reference (transcript-rebuilt; emitter-appended) ---
"""Pipeline reference for scband-monotone1-dcurve-9878424780965 (READ-ONLY COPY).

The authoritative reference and input builder live on the scoring server;
editing this copy changes nothing except your own understanding.
"""

import jax, jax.numpy as jnp
import numpy as np

K = 16

def setup_inputs(seed: int = 0) -> dict:
    key = jax.random.key(seed)
    k1, k2 = jax.random.split(key)
    x01 = jax.random.uniform(k1, (64, 1, 512, 512), dtype=jnp.float32)
    raw_params = jax.random.normal(k2, (64, K), dtype=jnp.float32)
    return {"x01": x01, "raw_params": raw_params}

def make_curve(raw_params):
    B = raw_params.shape[0]
    black_raw = raw_params[:, 0:1]
    slopes_raw = raw_params[:, 1:]
    black_point = jax.nn.sigmoid(black_raw) * 0.025
    slopes = jax.nn.softplus(slopes_raw) + 0.02
    c = jnp.cumsum(slopes, axis=1)
    remaining = 1.0 - black_point
    c = c / jnp.maximum(c[:, -1:], 1e-06) * remaining
    zeros = jnp.zeros((B, 1), dtype=raw_params.dtype)
    curve = black_point + jnp.concatenate([zeros, c], axis=1)
    return curve

def reference(x01, raw_params):
    curve = make_curve(raw_params)
    B, _, H, W = x01.shape
    x = jnp.clip(x01, 0.0, 1.0).reshape(B, 1, -1)
    t = x * (K - 1)
    lo = jnp.clip(jnp.floor(t).astype(jnp.int32), 0, K - 2)
    hi = lo + 1
    w_hi = t - lo.astype(x.dtype)
    w_lo = 1.0 - w_hi
    curve = curve.reshape(B, 1, K)
    v_lo = jnp.take_along_axis(curve, lo, axis=2)
    v_hi = jnp.take_along_axis(curve, hi, axis=2)
    return (w_lo * v_lo + w_hi * v_hi).reshape(B, 1, H, W)

if __name__ == "__main__":
    import jax
    _d = setup_inputs()
    print(jax.jit(kernel)(*tuple(_d.values())))

</pallas_src>

<mosaic_0001>
#map = affine_map<(d0, d1) -> (0, 0, 0)>
#map1 = affine_map<(d0, d1) -> (0, 0)>
module attributes {stable_mosaic.version = 14 : i64} {
  func.func @_sc_body(%arg0: i32, %arg1: i32, %arg2: memref<64x512x512xf32, #tpu.memory_space<hbm>>, %arg3: memref<64x16xf32, #tpu.memory_space<hbm>>, %arg4: memref<64x512x512xf32, #tpu.memory_space<hbm>>, %arg5: memref<16xf32, #tpu.memory_space<vmem>>, %arg6: memref<2x32x512xf32, #tpu.memory_space<vmem>>, %arg7: memref<2x32x512xf32, #tpu.memory_space<vmem>>, %arg8: memref<!tpu.dma_semaphore, #tpu.memory_space<semaphore_mem>>, %arg9: memref<!tpu.dma_semaphore, #tpu.memory_space<semaphore_mem>>, %arg10: memref<!tpu.dma_semaphore, #tpu.memory_space<semaphore_mem>>, %arg11: memref<!tpu.dma_semaphore, #tpu.memory_space<semaphore_mem>>) attributes {dimension_semantics = [#tpu.dimension_semantics<core_parallel>, #tpu.dimension_semantics<subcore_parallel>], iteration_bounds = array<i64: 2, 16>, scalar_prefetch = 0 : i64, scratch_operands = 7 : i64, tpu.core_type = #tpu.core_type<sc_vector_subcore>, window_params = [{transform_indices = #map}, {transform_indices = #map1}, {transform_indices = #map}]} {
    %mul3A = arith.constant 2 : i32
    %mul3A_0 = arith.muli %arg1, %mul3A : i32
    %add3A = arith.addi %mul3A_0, %arg0 : i32
    %iota3A = tpu.iota {dimensions = array<i32: 0>} : vector<16xi32>
    %mul3A_1 = arith.constant 2 : i32
    %mul3A_2 = arith.muli %add3A, %mul3A_1 : i32
    %add3A_3 = arith.constant 0 : i32
    %add3A_4 = arith.addi %mul3A_2, %add3A_3 : i32
    %dma_start3A = arith.constant 0 : i32
    %dma_start3A_5 = arith.constant 0 : i32
    %dma_start3A_6 = arith.constant 0 : i32
    %dma_start3A_7 = tpu.memref_slice %arg6[%dma_start3A, %dma_start3A_5, %dma_start3A_6] : memref<2x32x512xf32, #tpu.memory_space<vmem>> -> memref<1x32x512xf32, #tpu.memory_space<vmem>>
    %dma_start3A_8 = tpu.memref_squeeze %dma_start3A_7 : memref<1x32x512xf32, #tpu.memory_space<vmem>> -> memref<32x512xf32, #tpu.memory_space<vmem>>
    %dma_start3A_9 = arith.constant 0 : i32
    %dma_start3A_10 = arith.constant 0 : i32
    %dma_start3A_11 = tpu.memref_slice %arg2[%add3A_4, %dma_start3A_9, %dma_start3A_10] : memref<64x512x512xf32, #tpu.memory_space<hbm>> -> memref<1x32x512xf32, #tpu.memory_space<hbm>>
    %dma_start3A_12 = tpu.memref_squeeze %dma_start3A_11 : memref<1x32x512xf32, #tpu.memory_space<hbm>> -> memref<32x512xf32, #tpu.memory_space<hbm>>
    %dma_start3A_13 = arith.constant 0 : i32
    %dma_start3A_14 = arith.constant 0 : i32
    %dma_start3A_15 = tpu.memref_slice %arg6[%dma_start3A, %dma_start3A_13, %dma_start3A_14] : memref<2x32x512xf32, #tpu.memory_space<vmem>> -> memref<1x32x512xf32, #tpu.memory_space<vmem>>
    %dma_start3A_16 = tpu.memref_squeeze %dma_start3A_15 : memref<1x32x512xf32, #tpu.memory_space<vmem>> -> memref<32x512xf32, #tpu.memory_space<vmem>>
    %dma_start3A_17 = arith.constant 0 : i32
    %dma_start3A_18 = arith.constant 0 : i32
    %dma_start3A_19 = tpu.memref_slice %arg2[%add3A_4, %dma_start3A_17, %dma_start3A_18] : memref<64x512x512xf32, #tpu.memory_space<hbm>> -> memref<1x32x512xf32, #tpu.memory_space<hbm>>
    %dma_start3A_20 = tpu.memref_squeeze %dma_start3A_19 : memref<1x32x512xf32, #tpu.memory_space<hbm>> -> memref<32x512xf32, #tpu.memory_space<hbm>>
    tpu.enqueue_dma source(%dma_start3A_20 : memref<32x512xf32, #tpu.memory_space<hbm>>) target(%dma_start3A_16 : memref<32x512xf32, #tpu.memory_space<vmem>>) target_semaphore(%arg8 : memref<!tpu.dma_semaphore, #tpu.memory_space<semaphore_mem>>)
    %dma_start3A_21 = arith.constant 1 : i32
    %dma_start3A_22 = arith.constant 0 : i32
    %dma_start3A_23 = arith.constant 0 : i32
    %dma_start3A_24 = tpu.memref_slice %arg6[%dma_start3A_21, %dma_start3A_22, %dma_start3A_23] : memref<2x32x512xf32, #tpu.memory_space<vmem>> -> memref<1x32x512xf32, #tpu.memory_space<vmem>>
    %dma_start3A_25 = tpu.memref_squeeze %dma_start3A_24 : memref<1x32x512xf32, #tpu.memory_space<vmem>> -> memref<32x512xf32, #tpu.memory_space<vmem>>
    %dma_start3A_26 = arith.constant 32 : i32
    %dma_start3A_27 = arith.constant 0 : i32
    %dma_start3A_28 = tpu.memref_slice %arg2[%add3A_4, %dma_start3A_26, %dma_start3A_27] : memref<64x512x512xf32, #tpu.memory_space<hbm>> -> memref<1x32x512xf32, #tpu.memory_space<hbm>>
    %dma_start3A_29 = tpu.memref_squeeze %dma_start3A_28 : memref<1x32x512xf32, #tpu.memory_space<hbm>> -> memref<32x512xf32, #tpu.memory_space<hbm>>
    %dma_start3A_30 = arith.constant 0 : i32
    %dma_start3A_31 = arith.constant 0 : i32
    %dma_start3A_32 = tpu.memref_slice %arg6[%dma_start3A_21, %dma_start3A_30, %dma_start3A_31] : memref<2x32x512xf32, #tpu.memory_space<vmem>> -> memref<1x32x512xf32, #tpu.memory_space<vmem>>
    %dma_start3A_33 = tpu.memref_squeeze %dma_start3A_32 : memref<1x32x512xf32, #tpu.memory_space<vmem>> -> memref<32x512xf32, #tpu.memory_space<vmem>>
    %dma_start3A_34 = arith.constant 32 : i32
    %dma_start3A_35 = arith.constant 0 : i32
    %dma_start3A_36 = tpu.memref_slice %arg2[%add3A_4, %dma_start3A_34, %dma_start3A_35] : memref<64x512x512xf32, #tpu.memory_space<hbm>> -> memref<1x32x512xf32, #tpu.memory_space<hbm>>
    %dma_start3A_37 = tpu.memref_squeeze %dma_start3A_36 : memref<1x32x512xf32, #tpu.memory_space<hbm>> -> memref<32x512xf32, #tpu.memory_space<hbm>>
    tpu.enqueue_dma source(%dma_start3A_37 : memref<32x512xf32, #tpu.memory_space<hbm>>) target(%dma_start3A_33 : memref<32x512xf32, #tpu.memory_space<vmem>>) target_semaphore(%arg9 : memref<!tpu.dma_semaphore, #tpu.memory_space<semaphore_mem>>)
    "tpu.region"() ({
      %run_scoped3A = tpu.sem_alloc : memref<!tpu.dma_semaphore, #tpu.memory_space<semaphore_mem>>
      %dma_start3A_508 = arith.constant 0 : i32
      %dma_start3A_509 = tpu.memref_slice %arg3[%add3A_4, %dma_start3A_508] : memref<64x16xf32, #tpu.memory_space<hbm>> -> memref<1x16xf32, #tpu.memory_space<hbm>>
      %dma_start3A_510 = tpu.memref_squeeze %dma_start3A_509 : memref<1x16xf32, #tpu.memory_space<hbm>> -> memref<16xf32, #tpu.memory_space<hbm>>
      %dma_start3A_511 = arith.constant 0 : i32
      %dma_start3A_512 = tpu.memref_slice %arg3[%add3A_4, %dma_start3A_511] : memref<64x16xf32, #tpu.memory_space<hbm>> -> memref<1x16xf32, #tpu.memory_space<hbm>>
      %dma_start3A_513 = tpu.memref_squeeze %dma_start3A_512 : memref<1x16xf32, #tpu.memory_space<hbm>> -> memref<16xf32, #tpu.memory_space<hbm>>
      tpu.enqueue_dma source(%dma_start3A_513 : memref<16xf32, #tpu.memory_space<hbm>>) target(%arg5 : memref<16xf32, #tpu.memory_space<vmem>>) target_semaphore(%run_scoped3A : memref<!tpu.dma_semaphore, #tpu.memory_space<semaphore_mem>>)
      %dma_wait3A_514 = arith.constant 0 : i32
      %dma_wait3A_515 = tpu.memref_slice %arg3[%add3A_4, %dma_wait3A_514] : memref<64x16xf32, #tpu.memory_space<hbm>> -> memref<1x16xf32, #tpu.memory_space<hbm>>
      %dma_wait3A_516 = tpu.memref_squeeze %dma_wait3A_515 : memref<1x16xf32, #tpu.memory_space<hbm>> -> memref<16xf32, #tpu.memory_space<hbm>>
      %dma_wait3A_517 = arith.constant 0 : i32
      %dma_wait3A_518 = tpu.memref_slice %arg3[%add3A_4, %dma_wait3A_517] : memref<64x16xf32, #tpu.memory_space<hbm>> -> memref<1x16xf32, #tpu.memory_space<hbm>>
      %dma_wait3A_519 = tpu.memref_squeeze %dma_wait3A_518 : memref<1x16xf32, #tpu.memory_space<hbm>> -> memref<16xf32, #tpu.memory_space<hbm>>
      tpu.wait_dma2 semaphore(%run_scoped3A : memref<!tpu.dma_semaphore, #tpu.memory_space<semaphore_mem>>) src(%dma_wait3A_519 : memref<16xf32, #tpu.memory_space<hbm>>) dst(%arg5 : memref<16xf32, #tpu.memory_space<vmem>>)
      tpu.yield
    }) : () -> ()
    %get3A = arith.constant 0 : index
    %get3A_38 = tpu.vector_load %arg5[%get3A] {strides = array<i32>} : memref<16xf32, #tpu.memory_space<vmem>>, vector<16xf32>,
    %get3A_39 = vector.shape_cast %get3A_38 : vector<16xf32> to vector<16xf32>
    %broadcast_in_dim3A = arith.constant 0 : i32
    %broadcast_in_dim3A_40 = vector.broadcast %broadcast_in_dim3A : i32 to vector<16xi32>
    %broadcast_in_dim3A_41 = vector.shape_cast %broadcast_in_dim3A_40 : vector<16xi32> to vector<16x1xi32>
    %gather3A = vector.shape_cast %broadcast_in_dim3A_41 : vector<16x1xi32> to vector<16xi32>
    %gather3A_42 = tpu.dynamic_gather %get3A_39[%gather3A] in [0] : vector<16xf32>, vector<16xi32> -> vector<16xf32>
    %neg3A = arith.constant 0.000000e+00 : f32
    %neg3A_43 = vector.broadcast %neg3A : f32 to vector<16xf32>
    %neg3A_44 = arith.subf %neg3A_43, %gather3A_42 : vector<16xf32>
    %exp3A = math.exp %neg3A_44 : vector<16xf32>
    %add3A_45 = arith.constant 1.000000e+00 : f32
    %add3A_46 = vector.broadcast %add3A_45 : f32 to vector<16xf32>
    %add3A_47 = arith.addf %add3A_46, %exp3A : vector<16xf32>
    %div3A = arith.constant 2.500000e-02 : f32
    %div3A_48 = vector.broadcast %div3A : f32 to vector<16xf32>
    %div3A_49 = arith.divf %div3A_48, %add3A_47 : vector<16xf32>
    %ge3A = arith.constant 1 : i32
    %ge3A_50 = vector.broadcast %ge3A : i32 to vector<16xi32>
    %ge3A_51 = arith.cmpi sge, %iota3A, %ge3A_50 : vector<16xi32>
    %gt3A = arith.constant 2.000000e+01 : f32
    %gt3A_52 = vector.broadcast %gt3A : f32 to vector<16xf32>
    %gt3A_53 = arith.cmpf ogt, %get3A_39, %gt3A_52 : vector<16xf32>
    %exp3A_54 = math.exp %get3A_39 : vector<16xf32>
    %add3A_55 = arith.constant 1.000000e+00 : f32
    %add3A_56 = vector.broadcast %add3A_55 : f32 to vector<16xf32>
    %add3A_57 = arith.addf %add3A_56, %exp3A_54 : vector<16xf32>
    %bitcast_convert_type3A = tpu.bitcast %add3A_57 : vector<16xf32> -> vector<16xi32>
    %shift_right_arithmetic3A = arith.constant 23 : i32
    %shift_right_arithmetic3A_58 = vector.broadcast %shift_right_arithmetic3A : i32 to vector<16xi32>
    %shift_right_arithmetic3A_59 = arith.shrsi %bitcast_convert_type3A, %shift_right_arithmetic3A_58 : vector<16xi32>
    %sub3A = arith.constant 127 : i32
    %sub3A_60 = vector.broadcast %sub3A : i32 to vector<16xi32>
    %sub3A_61 = arith.subi %shift_right_arithmetic3A_59, %sub3A_60 : vector<16xi32>
    %and3A = arith.constant 8388607 : i32
    %and3A_62 = vector.broadcast %and3A : i32 to vector<16xi32>
    %and3A_63 = arith.andi %bitcast_convert_type3A, %and3A_62 : vector<16xi32>
    %or3A = arith.constant 1065353216 : i32
    %or3A_64 = vector.broadcast %or3A : i32 to vector<16xi32>
    %or3A_65 = arith.ori %and3A_63, %or3A_64 : vector<16xi32>
    %bitcast_convert_type3A_66 = tpu.bitcast %or3A_65 : vector<16xi32> -> vector<16xf32>
    %gt3A_67 = arith.constant 1.41421354 : f32
    %gt3A_68 = vector.broadcast %gt3A_67 : f32 to vector<16xf32>
    %gt3A_69 = arith.cmpf ogt, %bitcast_convert_type3A_66, %gt3A_68 : vector<16xf32>
    %mul3A_70 = arith.constant 5.000000e-01 : f32
    %mul3A_71 = vector.broadcast %mul3A_70 : f32 to vector<16xf32>
    %mul3A_72 = arith.mulf %bitcast_convert_type3A_66, %mul3A_71 : vector<16xf32>
    %select_n3A = arith.select %gt3A_69, %mul3A_72, %bitcast_convert_type3A_66 : vector<16xi1>, vector<16xf32>
    %add3A_73 = arith.constant 1 : i32
    %add3A_74 = vector.broadcast %add3A_73 : i32 to vector<16xi32>
    %add3A_75 = arith.addi %sub3A_61, %add3A_74 : vector<16xi32>
    %select_n3A_76 = arith.select %gt3A_69, %add3A_75, %sub3A_61 : vector<16xi1>, vector<16xi32>
    %sub3A_77 = arith.constant 1.000000e+00 : f32
    %sub3A_78 = vector.broadcast %sub3A_77 : f32 to vector<16xf32>
    %sub3A_79 = arith.subf %select_n3A, %sub3A_78 : vector<16xf32>
    %add3A_80 = arith.constant 1.000000e+00 : f32
    %add3A_81 = vector.broadcast %add3A_80 : f32 to vector<16xf32>
    %add3A_82 = arith.addf %select_n3A, %add3A_81 : vector<16xf32>
    %div3A_83 = arith.divf %sub3A_79, %add3A_82 : vector<16xf32>
    %mul3A_84 = arith.mulf %div3A_83, %div3A_83 : vector<16xf32>
    %mul3A_85 = arith.constant 0.111111112 : f32
    %mul3A_86 = vector.broadcast %mul3A_85 : f32 to vector<16xf32>
    %mul3A_87 = arith.mulf %mul3A_84, %mul3A_86 : vector<16xf32>
    %add3A_88 = arith.constant 0.142857149 : f32
    %add3A_89 = vector.broadcast %add3A_88 : f32 to vector<16xf32>
    %add3A_90 = arith.addf %add3A_89, %mul3A_87 : vector<16xf32>
    %mul3A_91 = arith.mulf %mul3A_84, %add3A_90 : vector<16xf32>
    %add3A_92 = arith.constant 2.000000e-01 : f32
    %add3A_93 = vector.broadcast %add3A_92 : f32 to vector<16xf32>
    %add3A_94 = arith.addf %add3A_93, %mul3A_91 : vector<16xf32>
    %mul3A_95 = arith.mulf %mul3A_84, %add3A_94 : vector<16xf32>
    %add3A_96 = arith.constant 0.333333343 : f32
    %add3A_97 = vector.broadcast %add3A_96 : f32 to vector<16xf32>
    %add3A_98 = arith.addf %add3A_97, %mul3A_95 : vector<16xf32>
    %mul3A_99 = arith.mulf %mul3A_84, %add3A_98 : vector<16xf32>
    %add3A_100 = arith.constant 1.000000e+00 : f32
    %add3A_101 = vector.broadcast %add3A_100 : f32 to vector<16xf32>
    %add3A_102 = arith.addf %add3A_101, %mul3A_99 : vector<16xf32>
    %mul3A_103 = arith.constant 2.000000e+00 : f32
    %mul3A_104 = vector.broadcast %mul3A_103 : f32 to vector<16xf32>
    %mul3A_105 = arith.mulf %mul3A_104, %div3A_83 : vector<16xf32>
    %mul3A_106 = arith.mulf %mul3A_105, %add3A_102 : vector<16xf32>
    %convert_element_type3A = arith.sitofp %select_n3A_76 : vector<16xi32> to vector<16xf32>
    %mul3A_107 = arith.constant 0.693147182 : f32
    %mul3A_108 = vector.broadcast %mul3A_107 : f32 to vector<16xf32>
    %mul3A_109 = arith.mulf %convert_element_type3A, %mul3A_108 : vector<16xf32>
    %add3A_110 = arith.addf %mul3A_106, %mul3A_109 : vector<16xf32>
    %select_n3A_111 = arith.select %gt3A_53, %get3A_39, %add3A_110 : vector<16xi1>, vector<16xf32>
    %add3A_112 = arith.constant 2.000000e-02 : f32
    %add3A_113 = vector.broadcast %add3A_112 : f32 to vector<16xf32>
    %add3A_114 = arith.addf %select_n3A_111, %add3A_113 : vector<16xf32>
    %jit3A = arith.constant 0.000000e+00 : f32
    %broadcast_in_dim3A_115 = vector.broadcast %jit3A : f32 to vector<16xf32>
    %select_n3A_116 = arith.select %ge3A_51, %add3A_114, %broadcast_in_dim3A_115 : vector<16xi1>, vector<16xf32>
    %sub3A_117 = arith.constant 1 : i32
    %sub3A_118 = vector.broadcast %sub3A_117 : i32 to vector<16xi32>
    %sub3A_119 = arith.subi %iota3A, %sub3A_118 : vector<16xi32>
    %max3A = arith.constant 0 : i32
    %max3A_120 = vector.broadcast %max3A : i32 to vector<16xi32>
    %max3A_121 = arith.maxsi %sub3A_119, %max3A_120 : vector<16xi32>
    %broadcast_in_dim3A_122 = vector.shape_cast %max3A_121 : vector<16xi32> to vector<16x1xi32>
    %gather3A_123 = vector.shape_cast %broadcast_in_dim3A_122 : vector<16x1xi32> to vector<16xi32>
    %gather3A_124 = tpu.dynamic_gather %select_n3A_116[%gather3A_123] in [0] : vector<16xf32>, vector<16xi32> -> vector<16xf32>
    %ge3A_125 = arith.constant 1 : i32
    %ge3A_126 = vector.broadcast %ge3A_125 : i32 to vector<16xi32>
    %ge3A_127 = arith.cmpi sge, %iota3A, %ge3A_126 : vector<16xi32>
    %jit3A_128 = arith.constant 0.000000e+00 : f32
    %broadcast_in_dim3A_129 = vector.broadcast %jit3A_128 : f32 to vector<16xf32>
    %select_n3A_130 = arith.select %ge3A_127, %gather3A_124, %broadcast_in_dim3A_129 : vector<16xi1>, vector<16xf32>
    %add3A_131 = arith.addf %select_n3A_116, %select_n3A_130 : vector<16xf32>
    %sub3A_132 = arith.constant 2 : i32
    %sub3A_133 = vector.broadcast %sub3A_132 : i32 to vector<16xi32>
    %sub3A_134 = arith.subi %iota3A, %sub3A_133 : vector<16xi32>
    %max3A_135 = arith.constant 0 : i32
    %max3A_136 = vector.broadcast %max3A_135 : i32 to vector<16xi32>
    %max3A_137 = arith.maxsi %sub3A_134, %max3A_136 : vector<16xi32>
    %broadcast_in_dim3A_138 = vector.shape_cast %max3A_137 : vector<16xi32> to vector<16x1xi32>
    %gather3A_139 = vector.shape_cast %broadcast_in_dim3A_138 : vector<16x1xi32> to vector<16xi32>
    %gather3A_140 = tpu.dynamic_gather %add3A_131[%gather3A_139] in [0] : vector<16xf32>, vector<16xi32> -> vector<16xf32>
    %ge3A_141 = arith.constant 2 : i32
    %ge3A_142 = vector.broadcast %ge3A_141 : i32 to vector<16xi32>
    %ge3A_143 = arith.cmpi sge, %iota3A, %ge3A_142 : vector<16xi32>
    %jit3A_144 = arith.constant 0.000000e+00 : f32
    %broadcast_in_dim3A_145 = vector.broadcast %jit3A_144 : f32 to vector<16xf32>
    %select_n3A_146 = arith.select %ge3A_143, %gather3A_140, %broadcast_in_dim3A_145 : vector<16xi1>, vector<16xf32>
    %add3A_147 = arith.addf %add3A_131, %select_n3A_146 : vector<16xf32>
    %sub3A_148 = arith.constant 4 : i32
    %sub3A_149 = vector.broadcast %sub3A_148 : i32 to vector<16xi32>
    %sub3A_150 = arith.subi %iota3A, %sub3A_149 : vector<16xi32>
    %max3A_151 = arith.constant 0 : i32
    %max3A_152 = vector.broadcast %max3A_151 : i32 to vector<16xi32>
    %max3A_153 = arith.maxsi %sub3A_150, %max3A_152 : vector<16xi32>
    %broadcast_in_dim3A_154 = vector.shape_cast %max3A_153 : vector<16xi32> to vector<16x1xi32>
    %gather3A_155 = vector.shape_cast %broadcast_in_dim3A_154 : vector<16x1xi32> to vector<16xi32>
    %gather3A_156 = tpu.dynamic_gather %add3A_147[%gather3A_155] in [0] : vector<16xf32>, vector<16xi32> -> vector<16xf32>
    %ge3A_157 = arith.constant 4 : i32
    %ge3A_158 = vector.broadcast %ge3A_157 : i32 to vector<16xi32>
    %ge3A_159 = arith.cmpi sge, %iota3A, %ge3A_158 : vector<16xi32>
    %jit3A_160 = arith.constant 0.000000e+00 : f32
    %broadcast_in_dim3A_161 = vector.broadcast %jit3A_160 : f32 to vector<16xf32>
    %select_n3A_162 = arith.select %ge3A_159, %gather3A_156, %broadcast_in_dim3A_161 : vector<16xi1>, vector<16xf32>
    %add3A_163 = arith.addf %add3A_147, %select_n3A_162 : vector<16xf32>
    %sub3A_164 = arith.constant 8 : i32
    %sub3A_165 = vector.broadcast %sub3A_164 : i32 to vector<16xi32>
    %sub3A_166 = arith.subi %iota3A, %sub3A_165 : vector<16xi32>
    %max3A_167 = arith.constant 0 : i32
    %max3A_168 = vector.broadcast %max3A_167 : i32 to vector<16xi32>
    %max3A_169 = arith.maxsi %sub3A_166, %max3A_168 : vector<16xi32>
    %broadcast_in_dim3A_170 = vector.shape_cast %max3A_169 : vector<16xi32> to vector<16x1xi32>
    %gather3A_171 = vector.shape_cast %broadcast_in_dim3A_170 : vector<16x1xi32> to vector<16xi32>
    %gather3A_172 = tpu.dynamic_gather %add3A_163[%gather3A_171] in [0] : vector<16xf32>, vector<16xi32> -> vector<16xf32>
    %ge3A_173 = arith.constant 8 : i32
    %ge3A_174 = vector.broadcast %ge3A_173 : i32 to vector<16xi32>
    %ge3A_175 = arith.cmpi sge, %iota3A, %ge3A_174 : vector<16xi32>
    %jit3A_176 = arith.constant 0.000000e+00 : f32
    %broadcast_in_dim3A_177 = vector.broadcast %jit3A_176 : f32 to vector<16xf32>
    %select_n3A_178 = arith.select %ge3A_175, %gather3A_172, %broadcast_in_dim3A_177 : vector<16xi1>, vector<16xf32>
    %add3A_179 = arith.addf %add3A_163, %select_n3A_178 : vector<16xf32>
    %broadcast_in_dim3A_180 = arith.constant 15 : i32
    %broadcast_in_dim3A_181 = vector.broadcast %broadcast_in_dim3A_180 : i32 to vector<16xi32>
    %broadcast_in_dim3A_182 = vector.shape_cast %broadcast_in_dim3A_181 : vector<16xi32> to vector<16x1xi32>
    %gather3A_183 = vector.shape_cast %broadcast_in_dim3A_182 : vector<16x1xi32> to vector<16xi32>
    %gather3A_184 = tpu.dynamic_gather %add3A_179[%gather3A_183] in [0] : vector<16xf32>, vector<16xi32> -> vector<16xf32>
    %max3A_185 = arith.constant 9.99999997E-7 : f32
    %max3A_186 = vector.broadcast %max3A_185 : f32 to vector<16xf32>
    %max3A_187 = arith.maximumf %gather3A_184, %max3A_186 : vector<16xf32>
    %div3A_188 = arith.divf %add3A_179, %max3A_187 : vector<16xf32>
    %sub3A_189 = arith.constant 1.000000e+00 : f32
    %sub3A_190 = vector.broadcast %sub3A_189 : f32 to vector<16xf32>
    %sub3A_191 = arith.subf %sub3A_190, %div3A_49 : vector<16xf32>
    %mul3A_192 = arith.mulf %div3A_188, %sub3A_191 : vector<16xf32>
    %add3A_193 = arith.addf %div3A_49, %mul3A_192 : vector<16xf32>
    %add3A_194 = arith.constant 1 : i32
    %add3A_195 = vector.broadcast %add3A_194 : i32 to vector<16xi32>
    %add3A_196 = arith.addi %iota3A, %add3A_195 : vector<16xi32>
    %min3A = arith.constant 15 : i32
    %min3A_197 = vector.broadcast %min3A : i32 to vector<16xi32>
    %min3A_198 = arith.minsi %add3A_196, %min3A_197 : vector<16xi32>
    %broadcast_in_dim3A_199 = vector.shape_cast %min3A_198 : vector<16xi32> to vector<16x1xi32>
    %gather3A_200 = vector.shape_cast %broadcast_in_dim3A_199 : vector<16x1xi32> to vector<16xi32>
    %gather3A_201 = tpu.dynamic_gather %add3A_193[%gather3A_200] in [0] : vector<16xf32>, vector<16xi32> -> vector<16xf32>
    %sub3A_202 = arith.subf %gather3A_201, %add3A_193 : vector<16xf32>
    %convert_element_type3A_203 = arith.sitofp %iota3A : vector<16xi32> to vector<16xf32>
    %mul3A_204 = arith.mulf %convert_element_type3A_203, %sub3A_202 : vector<16xf32>
    %sub3A_205 = arith.subf %add3A_193, %mul3A_204 : vector<16xf32>
    %scan3A = arith.constant 0 : i32
    %scan3A_206 = arith.constant 0 : i32
    %scan3A_207 = arith.constant 8 : i32
    %scan3A_208 = arith.addi %scan3A_206, %scan3A_207 : i32
    %scan3A_209 = arith.constant 1 : i32
    scf.for %scan3A_508 = %scan3A_206 to %scan3A_208 step %scan3A_209  : i32 {
      %mul3A_509 = arith.constant 2 : i32
      %mul3A_510 = arith.muli %scan3A_508, %mul3A_509 : i32
      %add3A_511 = arith.constant 0 : i32
      %add3A_512 = arith.addi %mul3A_510, %add3A_511 : i32
      %mul3A_513 = arith.constant 32 : i32
      %mul3A_514 = arith.muli %add3A_512, %mul3A_513 : i32
      %dma_wait3A_515 = arith.constant 0 : i32
      %dma_wait3A_516 = arith.constant 0 : i32
      %dma_wait3A_517 = arith.constant 0 : i32
      %dma_wait3A_518 = tpu.memref_slice %arg6[%dma_wait3A_515, %dma_wait3A_516, %dma_wait3A_517] : memref<2x32x512xf32, #tpu.memory_space<vmem>> -> memref<1x32x512xf32, #tpu.memory_space<vmem>>
      %dma_wait3A_519 = tpu.memref_squeeze %dma_wait3A_518 : memref<1x32x512xf32, #tpu.memory_space<vmem>> -> memref<32x512xf32, #tpu.memory_space<vmem>>
      %dma_wait3A_520 = arith.constant 0 : i32
      %dma_wait3A_521 = tpu.memref_slice %arg2[%add3A_4, %mul3A_514, %dma_wait3A_520] : memref<64x512x512xf32, #tpu.memory_space<hbm>> -> memref<1x32x512xf32, #tpu.memory_space<hbm>>
      %dma_wait3A_522 = tpu.memref_squeeze %dma_wait3A_521 : memref<1x32x512xf32, #tpu.memory_space<hbm>> -> memref<32x512xf32, #tpu.memory_space<hbm>>
      %dma_wait3A_523 = arith.constant 0 : i32
      %dma_wait3A_524 = arith.constant 0 : i32
      %dma_wait3A_525 = tpu.memref_slice %arg6[%dma_wait3A_515, %dma_wait3A_523, %dma_wait3A_524] : memref<2x32x512xf32, #tpu.memory_space<vmem>> -> memref<1x32x512xf32, #tpu.memory_space<vmem>>
      %dma_wait3A_526 = tpu.memref_squeeze %dma_wait3A_525 : memref<1x32x512xf32, #tpu.memory_space<vmem>> -> memref<32x512xf32, #tpu.memory_space<vmem>>
      %dma_wait3A_527 = arith.constant 0 : i32
      %dma_wait3A_528 = tpu.memref_slice %arg2[%add3A_4, %mul3A_514, %dma_wait3A_527] : memref<64x512x512xf32, #tpu.memory_space<hbm>> -> memref<1x32x512xf32, #tpu.memory_space<hbm>>
      %dma_wait3A_529 = tpu.memref_squeeze %dma_wait3A_528 : memref<1x32x512xf32, #tpu.memory_space<hbm>> -> memref<32x512xf32, #tpu.memory_space<hbm>>
      tpu.wait_dma2 semaphore(%arg8 : memref<!tpu.dma_semaphore, #tpu.memory_space<semaphore_mem>>) src(%dma_wait3A_529 : memref<32x512xf32, #tpu.memory_space<hbm>>) dst(%dma_wait3A_526 : memref<32x512xf32, #tpu.memory_space<vmem>>)
      %ge3A_530 = arith.constant 2 : i32
      %ge3A_531 = arith.cmpi sge, %add3A_512, %ge3A_530 : i32
      %convert_element_type3A_532 = arith.extui %ge3A_531 : i1 to i32
      %cond3A = arith.constant 0 : i32
      %cond3A_533 = arith.cmpi ne, %convert_element_type3A_532, %cond3A : i32
      scf.if %cond3A_533 {
        %sub3A_608 = arith.constant 2 : i32
        %sub3A_609 = arith.subi %add3A_512, %sub3A_608 : i32
        %mul3A_610 = arith.constant 32 : i32
        %mul3A_611 = arith.muli %sub3A_609, %mul3A_610 : i32
        %dma_wait3A_612 = arith.constant 0 : i32
        %dma_wait3A_613 = arith.constant 0 : i32
        %dma_wait3A_614 = arith.constant 0 : i32
        %dma_wait3A_615 = tpu.memref_slice %arg7[%dma_wait3A_612, %dma_wait3A_613, %dma_wait3A_614] : memref<2x32x512xf32, #tpu.memory_space<vmem>> -> memref<1x32x512xf32, #tpu.memory_space<vmem>>
        %dma_wait3A_616 = tpu.memref_squeeze %dma_wait3A_615 : memref<1x32x512xf32, #tpu.memory_space<vmem>> -> memref<32x512xf32, #tpu.memory_space<vmem>>
        %dma_wait3A_617 = arith.constant 0 : i32
        %dma_wait3A_618 = tpu.memref_slice %arg4[%add3A_4, %mul3A_611, %dma_wait3A_617] : memref<64x512x512xf32, #tpu.memory_space<hbm>> -> memref<1x32x512xf32, #tpu.memory_space<hbm>>
        %dma_wait3A_619 = tpu.memref_squeeze %dma_wait3A_618 : memref<1x32x512xf32, #tpu.memory_space<hbm>> -> memref<32x512xf32, #tpu.memory_space<hbm>>
        %dma_wait3A_620 = arith.constant 0 : i32
        %dma_wait3A_621 = tpu.memref_slice %arg4[%add3A_4, %mul3A_611, %dma_wait3A_620] : memref<64x512x512xf32, #tpu.memory_space<hbm>> -> memref<1x32x512xf32, #tpu.memory_space<hbm>>
        %dma_wait3A_622 = tpu.memref_squeeze %dma_wait3A_621 : memref<1x32x512xf32, #tpu.memory_space<hbm>> -> memref<32x512xf32, #tpu.memory_space<hbm>>
        %dma_wait3A_623 = arith.constant 0 : i32
        %dma_wait3A_624 = arith.constant 0 : i32
        %dma_wait3A_625 = tpu.memref_slice %arg7[%dma_wait3A_612, %dma_wait3A_623, %dma_wait3A_624] : memref<2x32x512xf32, #tpu.memory_space<vmem>> -> memref<1x32x512xf32, #tpu.memory_space<vmem>>
        %dma_wait3A_626 = tpu.memref_squeeze %dma_wait3A_625 : memref<1x32x512xf32, #tpu.memory_space<vmem>> -> memref<32x512xf32, #tpu.memory_space<vmem>>
        tpu.wait_dma2 semaphore(%arg10 : memref<!tpu.dma_semaphore, #tpu.memory_space<semaphore_mem>>) src(%dma_wait3A_626 : memref<32x512xf32, #tpu.memory_space<vmem>>) dst(%dma_wait3A_622 : memref<32x512xf32, #tpu.memory_space<hbm>>)
      } else {
      }
      %parallel_loop3A = arith.constant 0 : i32
      %parallel_loop3A_534 = arith.constant 1024 : i32
      %parallel_loop3A_535 = arith.constant 1 : i32
      scf.for %parallel_loop3A_608 = %parallel_loop3A to %parallel_loop3A_534 step %parallel_loop3A_535  : i32 {
        %parallel_loop3A_609 = arith.constant 32 : i32
        %parallel_loop3A_610 = arith.divsi %parallel_loop3A_608, %parallel_loop3A_609 : i32
        %parallel_loop3A_611 = arith.constant 0 : i32
        %parallel_loop3A_612 = arith.cmpi sgt, %parallel_loop3A_608, %parallel_loop3A_611 : i32
        %parallel_loop3A_613 = arith.extui %parallel_loop3A_612 : i1 to i32
        %parallel_loop3A_614 = arith.constant 0 : i32
        %parallel_loop3A_615 = arith.cmpi slt, %parallel_loop3A_608, %parallel_loop3A_614 : i32
        %parallel_loop3A_616 = arith.extui %parallel_loop3A_615 : i1 to i32
        %parallel_loop3A_617 = arith.subi %parallel_loop3A_613, %parallel_loop3A_616 : i32
        %parallel_loop3A_618 = arith.constant 0 : i32
        %parallel_loop3A_619 = arith.cmpi sgt, %parallel_loop3A_609, %parallel_loop3A_618 : i32
        %parallel_loop3A_620 = arith.extui %parallel_loop3A_619 : i1 to i32
        %parallel_loop3A_621 = arith.constant 0 : i32
        %parallel_loop3A_622 = arith.cmpi slt, %parallel_loop3A_609, %parallel_loop3A_621 : i32
        %parallel_loop3A_623 = arith.extui %parallel_loop3A_622 : i1 to i32
        %parallel_loop3A_624 = arith.subi %parallel_loop3A_620, %parallel_loop3A_623 : i32
        %parallel_loop3A_625 = arith.cmpi ne, %parallel_loop3A_617, %parallel_loop3A_624 : i32
        %parallel_loop3A_626 = arith.remsi %parallel_loop3A_608, %parallel_loop3A_609 : i32
        %parallel_loop3A_627 = arith.constant 0 : i32
        %parallel_loop3A_628 = arith.cmpi ne, %parallel_loop3A_626, %parallel_loop3A_627 : i32
        %parallel_loop3A_629 = arith.andi %parallel_loop3A_625, %parallel_loop3A_628 : i1
        %parallel_loop3A_630 = arith.constant 1 : i32
        %parallel_loop3A_631 = arith.subi %parallel_loop3A_610, %parallel_loop3A_630 : i32
        %parallel_loop3A_632 = arith.select %parallel_loop3A_629, %parallel_loop3A_631, %parallel_loop3A_610 : i32
        %parallel_loop3A_633 = arith.constant 32 : i32
        %parallel_loop3A_634 = arith.constant 0 : i32
        %parallel_loop3A_635 = arith.cmpi eq, %parallel_loop3A_633, %parallel_loop3A_634 : i32
        %parallel_loop3A_636 = arith.constant 1 : i32
        %parallel_loop3A_637 = arith.select %parallel_loop3A_635, %parallel_loop3A_636, %parallel_loop3A_633 : i32
        %parallel_loop3A_638 = arith.remsi %parallel_loop3A_608, %parallel_loop3A_637 : i32
        %parallel_loop3A_639 = arith.constant 0 : i32
        %parallel_loop3A_640 = arith.cmpi ne, %parallel_loop3A_638, %parallel_loop3A_639 : i32
        %parallel_loop3A_641 = arith.constant 0 : i32
        %parallel_loop3A_642 = arith.cmpi slt, %parallel_loop3A_638, %parallel_loop3A_641 : i32
        %parallel_loop3A_643 = arith.constant 0 : i32
        %parallel_loop3A_644 = arith.cmpi slt, %parallel_loop3A_637, %parallel_loop3A_643 : i32
        %parallel_loop3A_645 = arith.xori %parallel_loop3A_642, %parallel_loop3A_644 : i1
        %parallel_loop3A_646 = arith.andi %parallel_loop3A_645, %parallel_loop3A_640 : i1
        %parallel_loop3A_647 = arith.addi %parallel_loop3A_638, %parallel_loop3A_637 : i32
        %parallel_loop3A_648 = arith.select %parallel_loop3A_646, %parallel_loop3A_647, %parallel_loop3A_638 : i32
        %parallel_loop3A_649 = arith.constant 16 : i32
        %parallel_loop3A_650 = arith.muli %parallel_loop3A_648, %parallel_loop3A_649 : i32
        %parallel_loop3A_651 = arith.constant 0 : i32
        %parallel_loop3A_652 = arith.index_cast %parallel_loop3A_651 : i32 to index
        %parallel_loop3A_653 = arith.index_cast %parallel_loop3A_632 : i32 to index
        %parallel_loop3A_654 = arith.index_cast %parallel_loop3A_650 : i32 to index
        %parallel_loop3A_655 = tpu.vector_load %arg6[%parallel_loop3A_652, %parallel_loop3A_653, %parallel_loop3A_654] {strides = array<i32>} : memref<2x32x512xf32, #tpu.memory_space<vmem>>, vector<1x1x16xf32>,
        %parallel_loop3A_656 = vector.shape_cast %parallel_loop3A_655 : vector<1x1x16xf32> to vector<16xf32>
        %parallel_loop3A_657 = arith.constant 1.500000e+01 : f32
        %parallel_loop3A_658 = vector.broadcast %parallel_loop3A_657 : f32 to vector<16xf32>
        %parallel_loop3A_659 = arith.mulf %parallel_loop3A_656, %parallel_loop3A_658 : vector<16xf32>
        %parallel_loop3A_660 = arith.fptosi %parallel_loop3A_659 : vector<16xf32> to vector<16xi32>
        %parallel_loop3A_661 = vector.shape_cast %parallel_loop3A_660 : vector<16xi32> to vector<16x1xi32>
        %parallel_loop3A_662 = vector.shape_cast %parallel_loop3A_661 : vector<16x1xi32> to vector<16xi32>
        %parallel_loop3A_663 = tpu.dynamic_gather %sub3A_205[%parallel_loop3A_662] in [0] : vector<16xf32>, vector<16xi32> -> vector<16xf32>
        %parallel_loop3A_664 = vector.shape_cast %parallel_loop3A_660 : vector<16xi32> to vector<16x1xi32>
        %parallel_loop3A_665 = vector.shape_cast %parallel_loop3A_664 : vector<16x1xi32> to vector<16xi32>
        %parallel_loop3A_666 = tpu.dynamic_gather %sub3A_202[%parallel_loop3A_665] in [0] : vector<16xf32>, vector<16xi32> -> vector<16xf32>
        %parallel_loop3A_667 = arith.mulf %parallel_loop3A_659, %parallel_loop3A_666 : vector<16xf32>
        %parallel_loop3A_668 = arith.addf %parallel_loop3A_663, %parallel_loop3A_667 : vector<16xf32>
        %parallel_loop3A_669 = arith.constant 0 : i32
        %parallel_loop3A_670 = arith.index_cast %parallel_loop3A_669 : i32 to index
        %parallel_loop3A_671 = arith.index_cast %parallel_loop3A_632 : i32 to index
        %parallel_loop3A_672 = arith.index_cast %parallel_loop3A_650 : i32 to index
        %parallel_loop3A_673 = tpu.vector_load %arg7[%parallel_loop3A_670, %parallel_loop3A_671, %parallel_loop3A_672] {strides = array<i32>} : memref<2x32x512xf32, #tpu.memory_space<vmem>>, vector<1x1x16xf32>,
        %parallel_loop3A_674 = vector.shape_cast %parallel_loop3A_673 : vector<1x1x16xf32> to vector<16xf32>
        %parallel_loop3A_675 = vector.shape_cast %parallel_loop3A_668 : vector<16xf32> to vector<1x1x16xf32>
        tpu.vector_store %arg7[%parallel_loop3A_670, %parallel_loop3A_671, %parallel_loop3A_672], %parallel_loop3A_675 {strides = array<i32>} : memref<2x32x512xf32, #tpu.memory_space<vmem>>, vector<1x1x16xf32>,
      } {sc.loop_unroll_factor = 8 : i64, sc.parallel_access}
      %mul3A_536 = arith.constant 32 : i32
      %mul3A_537 = arith.muli %add3A_512, %mul3A_536 : i32
      %dma_start3A_538 = arith.constant 0 : i32
      %dma_start3A_539 = arith.constant 0 : i32
      %dma_start3A_540 = arith.constant 0 : i32
      %dma_start3A_541 = tpu.memref_slice %arg7[%dma_start3A_538, %dma_start3A_539, %dma_start3A_540] : memref<2x32x512xf32, #tpu.memory_space<vmem>> -> memref<1x32x512xf32, #tpu.memory_space<vmem>>
      %dma_start3A_542 = tpu.memref_squeeze %dma_start3A_541 : memref<1x32x512xf32, #tpu.memory_space<vmem>> -> memref<32x512xf32, #tpu.memory_space<vmem>>
      %dma_start3A_543 = arith.constant 0 : i32
      %dma_start3A_544 = tpu.memref_slice %arg4[%add3A_4, %mul3A_537, %dma_start3A_543] : memref<64x512x512xf32, #tpu.memory_space<hbm>> -> memref<1x32x512xf32, #tpu.memory_space<hbm>>
      %dma_start3A_545 = tpu.memref_squeeze %dma_start3A_544 : memref<1x32x512xf32, #tpu.memory_space<hbm>> -> memref<32x512xf32, #tpu.memory_space<hbm>>
      %dma_start3A_546 = arith.constant 0 : i32
      %dma_start3A_547 = tpu.memref_slice %arg4[%add3A_4, %mul3A_537, %dma_start3A_546] : memref<64x512x512xf32, #tpu.memory_space<hbm>> -> memref<1x32x512xf32, #tpu.memory_space<hbm>>
      %dma_start3A_548 = tpu.memref_squeeze %dma_start3A_547 : memref<1x32x512xf32, #tpu.memory_space<hbm>> -> memref<32x512xf32, #tpu.memory_space<hbm>>
      %dma_start3A_549 = arith.constant 0 : i32
      %dma_start3A_550 = arith.constant 0 : i32
      %dma_start3A_551 = tpu.memref_slice %arg7[%dma_start3A_538, %dma_start3A_549, %dma_start3A_550] : memref<2x32x512xf32, #tpu.memory_space<vmem>> -> memref<1x32x512xf32, #tpu.memory_space<vmem>>
      %dma_start3A_552 = tpu.memref_squeeze %dma_start3A_551 : memref<1x32x512xf32, #tpu.memory_space<vmem>> -> memref<32x512xf32, #tpu.memory_space<vmem>>
      tpu.enqueue_dma source(%dma_start3A_552 : memref<32x512xf32, #tpu.memory_space<vmem>>) target(%dma_start3A_548 : memref<32x512xf32, #tpu.memory_space<hbm>>) target_semaphore(%arg10 : memref<!tpu.dma_semaphore, #tpu.memory_space<semaphore_mem>>)
      %lt3A = arith.constant 14 : i32
      %lt3A_553 = arith.cmpi slt, %add3A_512, %lt3A : i32
      %convert_element_type3A_554 = arith.extui %lt3A_553 : i1 to i32
      %cond3A_555 = arith.constant 0 : i32
      %cond3A_556 = arith.cmpi ne, %convert_element_type3A_554, %cond3A_555 : i32
      scf.if %cond3A_556 {
        %add3A_608 = arith.constant 2 : i32
        %add3A_609 = arith.addi %add3A_512, %add3A_608 : i32
        %mul3A_610 = arith.constant 32 : i32
        %mul3A_611 = arith.muli %add3A_609, %mul3A_610 : i32
        %dma_start3A_612 = arith.constant 0 : i32
        %dma_start3A_613 = arith.constant 0 : i32
        %dma_start3A_614 = arith.constant 0 : i32
        %dma_start3A_615 = tpu.memref_slice %arg6[%dma_start3A_612, %dma_start3A_613, %dma_start3A_614] : memref<2x32x512xf32, #tpu.memory_space<vmem>> -> memref<1x32x512xf32, #tpu.memory_space<vmem>>
        %dma_start3A_616 = tpu.memref_squeeze %dma_start3A_615 : memref<1x32x512xf32, #tpu.memory_space<vmem>> -> memref<32x512xf32, #tpu.memory_space<vmem>>
        %dma_start3A_617 = arith.constant 0 : i32
        %dma_start3A_618 = tpu.memref_slice %arg2[%add3A_4, %mul3A_611, %dma_start3A_617] : memref<64x512x512xf32, #tpu.memory_space<hbm>> -> memref<1x32x512xf32, #tpu.memory_space<hbm>>
        %dma_start3A_619 = tpu.memref_squeeze %dma_start3A_618 : memref<1x32x512xf32, #tpu.memory_space<hbm>> -> memref<32x512xf32, #tpu.memory_space<hbm>>
        %dma_start3A_620 = arith.constant 0 : i32
        %dma_start3A_621 = arith.constant 0 : i32
        %dma_start3A_622 = tpu.memref_slice %arg6[%dma_start3A_612, %dma_start3A_620, %dma_start3A_621] : memref<2x32x512xf32, #tpu.memory_space<vmem>> -> memref<1x32x512xf32, #tpu.memory_space<vmem>>
        %dma_start3A_623 = tpu.memref_squeeze %dma_start3A_622 : memref<1x32x512xf32, #tpu.memory_space<vmem>> -> memref<32x512xf32, #tpu.memory_space<vmem>>
        %dma_start3A_624 = arith.constant 0 : i32
        %dma_start3A_625 = tpu.memref_slice %arg2[%add3A_4, %mul3A_611, %dma_start3A_624] : memref<64x512x512xf32, #tpu.memory_space<hbm>> -> memref<1x32x512xf32, #tpu.memory_space<hbm>>
        %dma_start3A_626 = tpu.memref_squeeze %dma_start3A_625 : memref<1x32x512xf32, #tpu.memory_space<hbm>> -> memref<32x512xf32, #tpu.memory_space<hbm>>
        tpu.enqueue_dma source(%dma_start3A_626 : memref<32x512xf32, #tpu.memory_space<hbm>>) target(%dma_start3A_623 : memref<32x512xf32, #tpu.memory_space<vmem>>) target_semaphore(%arg8 : memref<!tpu.dma_semaphore, #tpu.memory_space<semaphore_mem>>)
      } else {
      }
      %mul3A_557 = arith.constant 2 : i32
      %mul3A_558 = arith.muli %scan3A_508, %mul3A_557 : i32
      %add3A_559 = arith.constant 1 : i32
      %add3A_560 = arith.addi %mul3A_558, %add3A_559 : i32
      %mul3A_561 = arith.constant 32 : i32
      %mul3A_562 = arith.muli %add3A_560, %mul3A_561 : i32
      %dma_wait3A_563 = arith.constant 1 : i32
      %dma_wait3A_564 = arith.constant 0 : i32
      %dma_wait3A_565 = arith.constant 0 : i32
      %dma_wait3A_566 = tpu.memref_slice %arg6[%dma_wait3A_563, %dma_wait3A_564, %dma_wait3A_565] : memref<2x32x512xf32, #tpu.memory_space<vmem>> -> memref<1x32x512xf32, #tpu.memory_space<vmem>>
      %dma_wait3A_567 = tpu.memref_squeeze %dma_wait3A_566 : memref<1x32x512xf32, #tpu.memory_space<vmem>> -> memref<32x512xf32, #tpu.memory_space<vmem>>
      %dma_wait3A_568 = arith.constant 0 : i32
      %dma_wait3A_569 = tpu.memref_slice %arg2[%add3A_4, %mul3A_562, %dma_wait3A_568] : memref<64x512x512xf32, #tpu.memory_space<hbm>> -> memref<1x32x512xf32, #tpu.memory_space<hbm>>
      %dma_wait3A_570 = tpu.memref_squeeze %dma_wait3A_569 : memref<1x32x512xf32, #tpu.memory_space<hbm>> -> memref<32x512xf32, #tpu.memory_space<hbm>>
      %dma_wait3A_571 = arith.constant 0 : i32
      %dma_wait3A_572 = arith.constant 0 : i32
      %dma_wait3A_573 = tpu.memref_slice %arg6[%dma_wait3A_563, %dma_wait3A_571, %dma_wait3A_572] : memref<2x32x512xf32, #tpu.memory_space<vmem>> -> memref<1x32x512xf32, #tpu.memory_space<vmem>>
      %dma_wait3A_574 = tpu.memref_squeeze %dma_wait3A_573 : memref<1x32x512xf32, #tpu.memory_space<vmem>> -> memref<32x512xf32, #tpu.memory_space<vmem>>
      %dma_wait3A_575 = arith.constant 0 : i32
      %dma_wait3A_576 = tpu.memref_slice %arg2[%add3A_4, %mul3A_562, %dma_wait3A_575] : memref<64x512x512xf32, #tpu.memory_space<hbm>> -> memref<1x32x512xf32, #tpu.memory_space<hbm>>
      %dma_wait3A_577 = tpu.memref_squeeze %dma_wait3A_576 : memref<1x32x512xf32, #tpu.memory_space<hbm>> -> memref<32x512xf32, #tpu.memory_space<hbm>>
      tpu.wait_dma2 semaphore(%arg9 : memref<!tpu.dma_semaphore, #tpu.memory_space<semaphore_mem>>) src(%dma_wait3A_577 : memref<32x512xf32, #tpu.memory_space<hbm>>) dst(%dma_wait3A_574 : memref<32x512xf32, #tpu.memory_space<vmem>>)
      %ge3A_578 = arith.constant 2 : i32
      %ge3A_579 = arith.cmpi sge, %add3A_560, %ge3A_578 : i32
      %convert_element_type3A_580 = arith.extui %ge3A_579 : i1 to i32
      %cond3A_581 = arith.constant 0 : i32
      %cond3A_582 = arith.cmpi ne, %convert_element_type3A_580, %cond3A_581 : i32
      scf.if %cond3A_582 {
        %sub3A_608 = arith.constant 2 : i32
        %sub3A_609 = arith.subi %add3A_560, %sub3A_608 : i32
        %mul3A_610 = arith.constant 32 : i32
        %mul3A_611 = arith.muli %sub3A_609, %mul3A_610 : i32
        %dma_wait3A_612 = arith.constant 1 : i32
        %dma_wait3A_613 = arith.constant 0 : i32
        %dma_wait3A_614 = arith.constant 0 : i32
        %dma_wait3A_615 = tpu.memref_slice %arg7[%dma_wait3A_612, %dma_wait3A_613, %dma_wait3A_614] : memref<2x32x512xf32, #tpu.memory_space<vmem>> -> memref<1x32x512xf32, #tpu.memory_space<vmem>>
        %dma_wait3A_616 = tpu.memref_squeeze %dma_wait3A_615 : memref<1x32x512xf32, #tpu.memory_space<vmem>> -> memref<32x512xf32, #tpu.memory_space<vmem>>
        %dma_wait3A_617 = arith.constant 0 : i32
        %dma_wait3A_618 = tpu.memref_slice %arg4[%add3A_4, %mul3A_611, %dma_wait3A_617] : memref<64x512x512xf32, #tpu.memory_space<hbm>> -> memref<1x32x512xf32, #tpu.memory_space<hbm>>
        %dma_wait3A_619 = tpu.memref_squeeze %dma_wait3A_618 : memref<1x32x512xf32, #tpu.memory_space<hbm>> -> memref<32x512xf32, #tpu.memory_space<hbm>>
        %dma_wait3A_620 = arith.constant 0 : i32
        %dma_wait3A_621 = tpu.memref_slice %arg4[%add3A_4, %mul3A_611, %dma_wait3A_620] : memref<64x512x512xf32, #tpu.memory_space<hbm>> -> memref<1x32x512xf32, #tpu.memory_space<hbm>>
        %dma_wait3A_622 = tpu.memref_squeeze %dma_wait3A_621 : memref<1x32x512xf32, #tpu.memory_space<hbm>> -> memref<32x512xf32, #tpu.memory_space<hbm>>
        %dma_wait3A_623 = arith.constant 0 : i32
        %dma_wait3A_624 = arith.constant 0 : i32
        %dma_wait3A_625 = tpu.memref_slice %arg7[%dma_wait3A_612, %dma_wait3A_623, %dma_wait3A_624] : memref<2x32x512xf32, #tpu.memory_space<vmem>> -> memref<1x32x512xf32, #tpu.memory_space<vmem>>
        %dma_wait3A_626 = tpu.memref_squeeze %dma_wait3A_625 : memref<1x32x512xf32, #tpu.memory_space<vmem>> -> memref<32x512xf32, #tpu.memory_space<vmem>>
        tpu.wait_dma2 semaphore(%arg11 : memref<!tpu.dma_semaphore, #tpu.memory_space<semaphore_mem>>) src(%dma_wait3A_626 : memref<32x512xf32, #tpu.memory_space<vmem>>) dst(%dma_wait3A_622 : memref<32x512xf32, #tpu.memory_space<hbm>>)
      } else {
      }
      %parallel_loop3A_583 = arith.constant 0 : i32
      %parallel_loop3A_584 = arith.constant 1024 : i32
      %parallel_loop3A_585 = arith.constant 1 : i32
      scf.for %parallel_loop3A_608 = %parallel_loop3A_583 to %parallel_loop3A_584 step %parallel_loop3A_585  : i32 {
        %parallel_loop3A_609 = arith.constant 32 : i32
        %parallel_loop3A_610 = arith.divsi %parallel_loop3A_608, %parallel_loop3A_609 : i32
        %parallel_loop3A_611 = arith.constant 0 : i32
        %parallel_loop3A_612 = arith.cmpi sgt, %parallel_loop3A_608, %parallel_loop3A_611 : i32
        %parallel_loop3A_613 = arith.extui %parallel_loop3A_612 : i1 to i32
        %parallel_loop3A_614 = arith.constant 0 : i32
        %parallel_loop3A_615 = arith.cmpi slt, %parallel_loop3A_608, %parallel_loop3A_614 : i32
        %parallel_loop3A_616 = arith.extui %parallel_loop3A_615 : i1 to i32
        %parallel_loop3A_617 = arith.subi %parallel_loop3A_613, %parallel_loop3A_616 : i32
        %parallel_loop3A_618 = arith.constant 0 : i32
        %parallel_loop3A_619 = arith.cmpi sgt, %parallel_loop3A_609, %parallel_loop3A_618 : i32
        %parallel_loop3A_620 = arith.extui %parallel_loop3A_619 : i1 to i32
        %parallel_loop3A_621 = arith.constant 0 : i32
        %parallel_loop3A_622 = arith.cmpi slt, %parallel_loop3A_609, %parallel_loop3A_621 : i32
        %parallel_loop3A_623 = arith.extui %parallel_loop3A_622 : i1 to i32
        %parallel_loop3A_624 = arith.subi %parallel_loop3A_620, %parallel_loop3A_623 : i32
        %parallel_loop3A_625 = arith.cmpi ne, %parallel_loop3A_617, %parallel_loop3A_624 : i32
        %parallel_loop3A_626 = arith.remsi %parallel_loop3A_608, %parallel_loop3A_609 : i32
        %parallel_loop3A_627 = arith.constant 0 : i32
        %parallel_loop3A_628 = arith.cmpi ne, %parallel_loop3A_626, %parallel_loop3A_627 : i32
        %parallel_loop3A_629 = arith.andi %parallel_loop3A_625, %parallel_loop3A_628 : i1
        %parallel_loop3A_630 = arith.constant 1 : i32
        %parallel_loop3A_631 = arith.subi %parallel_loop3A_610, %parallel_loop3A_630 : i32
        %parallel_loop3A_632 = arith.select %parallel_loop3A_629, %parallel_loop3A_631, %parallel_loop3A_610 : i32
        %parallel_loop3A_633 = arith.constant 32 : i32
        %parallel_loop3A_634 = arith.constant 0 : i32
        %parallel_loop3A_635 = arith.cmpi eq, %parallel_loop3A_633, %parallel_loop3A_634 : i32
        %parallel_loop3A_636 = arith.constant 1 : i32
        %parallel_loop3A_637 = arith.select %parallel_loop3A_635, %parallel_loop3A_636, %parallel_loop3A_633 : i32
        %parallel_loop3A_638 = arith.remsi %parallel_loop3A_608, %parallel_loop3A_637 : i32
        %parallel_loop3A_639 = arith.constant 0 : i32
        %parallel_loop3A_640 = arith.cmpi ne, %parallel_loop3A_638, %parallel_loop3A_639 : i32
        %parallel_loop3A_641 = arith.constant 0 : i32
        %parallel_loop3A_642 = arith.cmpi slt, %parallel_loop3A_638, %parallel_loop3A_641 : i32
        %parallel_loop3A_643 = arith.constant 0 : i32
        %parallel_loop3A_644 = arith.cmpi slt, %parallel_loop3A_637, %parallel_loop3A_643 : i32
        %parallel_loop3A_645 = arith.xori %parallel_loop3A_642, %parallel_loop3A_644 : i1
        %parallel_loop3A_646 = arith.andi %parallel_loop3A_645, %parallel_loop3A_640 : i1
        %parallel_loop3A_647 = arith.addi %parallel_loop3A_638, %parallel_loop3A_637 : i32
        %parallel_loop3A_648 = arith.select %parallel_loop3A_646, %parallel_loop3A_647, %parallel_loop3A_638 : i32
        %parallel_loop3A_649 = arith.constant 16 : i32
        %parallel_loop3A_650 = arith.muli %parallel_loop3A_648, %parallel_loop3A_649 : i32
        %parallel_loop3A_651 = arith.constant 1 : i32
        %parallel_loop3A_652 = arith.index_cast %parallel_loop3A_651 : i32 to index
        %parallel_loop3A_653 = arith.index_cast %parallel_loop3A_632 : i32 to index
        %parallel_loop3A_654 = arith.index_cast %parallel_loop3A_650 : i32 to index
        %parallel_loop3A_655 = tpu.vector_load %arg6[%parallel_loop3A_652, %parallel_loop3A_653, %parallel_loop3A_654] {strides = array<i32>} : memref<2x32x512xf32, #tpu.memory_space<vmem>>, vector<1x1x16xf32>,
        %parallel_loop3A_656 = vector.shape_cast %parallel_loop3A_655 : vector<1x1x16xf32> to vector<16xf32>
        %parallel_loop3A_657 = arith.constant 1.500000e+01 : f32
        %parallel_loop3A_658 = vector.broadcast %parallel_loop3A_657 : f32 to vector<16xf32>
        %parallel_loop3A_659 = arith.mulf %parallel_loop3A_656, %parallel_loop3A_658 : vector<16xf32>
        %parallel_loop3A_660 = arith.fptosi %parallel_loop3A_659 : vector<16xf32> to vector<16xi32>
        %parallel_loop3A_661 = vector.shape_cast %parallel_loop3A_660 : vector<16xi32> to vector<16x1xi32>
        %parallel_loop3A_662 = vector.shape_cast %parallel_loop3A_661 : vector<16x1xi32> to vector<16xi32>
        %parallel_loop3A_663 = tpu.dynamic_gather %sub3A_205[%parallel_loop3A_662] in [0] : vector<16xf32>, vector<16xi32> -> vector<16xf32>
        %parallel_loop3A_664 = vector.shape_cast %parallel_loop3A_660 : vector<16xi32> to vector<16x1xi32>
        %parallel_loop3A_665 = vector.shape_cast %parallel_loop3A_664 : vector<16x1xi32> to vector<16xi32>
        %parallel_loop3A_666 = tpu.dynamic_gather %sub3A_202[%parallel_loop3A_665] in [0] : vector<16xf32>, vector<16xi32> -> vector<16xf32>
        %parallel_loop3A_667 = arith.mulf %parallel_loop3A_659, %parallel_loop3A_666 : vector<16xf32>
        %parallel_loop3A_668 = arith.addf %parallel_loop3A_663, %parallel_loop3A_667 : vector<16xf32>
        %parallel_loop3A_669 = arith.constant 1 : i32
        %parallel_loop3A_670 = arith.index_cast %parallel_loop3A_669 : i32 to index
        %parallel_loop3A_671 = arith.index_cast %parallel_loop3A_632 : i32 to index
        %parallel_loop3A_672 = arith.index_cast %parallel_loop3A_650 : i32 to index
        %parallel_loop3A_673 = tpu.vector_load %arg7[%parallel_loop3A_670, %parallel_loop3A_671, %parallel_loop3A_672] {strides = array<i32>} : memref<2x32x512xf32, #tpu.memory_space<vmem>>, vector<1x1x16xf32>,
        %parallel_loop3A_674 = vector.shape_cast %parallel_loop3A_673 : vector<1x1x16xf32> to vector<16xf32>
        %parallel_loop3A_675 = vector.shape_cast %parallel_loop3A_668 : vector<16xf32> to vector<1x1x16xf32>
        tpu.vector_store %arg7[%parallel_loop3A_670, %parallel_loop3A_671, %parallel_loop3A_672], %parallel_loop3A_675 {strides = array<i32>} : memref<2x32x512xf32, #tpu.memory_space<vmem>>, vector<1x1x16xf32>,
      } {sc.loop_unroll_factor = 8 : i64, sc.parallel_access}
      %mul3A_586 = arith.constant 32 : i32
      %mul3A_587 = arith.muli %add3A_560, %mul3A_586 : i32
      %dma_start3A_588 = arith.constant 1 : i32
      %dma_start3A_589 = arith.constant 0 : i32
      %dma_start3A_590 = arith.constant 0 : i32
      %dma_start3A_591 = tpu.memref_slice %arg7[%dma_start3A_588, %dma_start3A_589, %dma_start3A_590] : memref<2x32x512xf32, #tpu.memory_space<vmem>> -> memref<1x32x512xf32, #tpu.memory_space<vmem>>
      %dma_start3A_592 = tpu.memref_squeeze %dma_start3A_591 : memref<1x32x512xf32, #tpu.memory_space<vmem>> -> memref<32x512xf32, #tpu.memory_space<vmem>>
      %dma_start3A_593 = arith.constant 0 : i32
      %dma_start3A_594 = tpu.memref_slice %arg4[%add3A_4, %mul3A_587, %dma_start3A_593] : memref<64x512x512xf32, #tpu.memory_space<hbm>> -> memref<1x32x512xf32, #tpu.memory_space<hbm>>
      %dma_start3A_595 = tpu.memref_squeeze %dma_start3A_594 : memref<1x32x512xf32, #tpu.memory_space<hbm>> -> memref<32x512xf32, #tpu.memory_space<hbm>>
      %dma_start3A_596 = arith.constant 0 : i32
      %dma_start3A_597 = tpu.memref_slice %arg4[%add3A_4, %mul3A_587, %dma_start3A_596] : memref<64x512x512xf32, #tpu.memory_space<hbm>> -> memref<1x32x512xf32, #tpu.memory_space<hbm>>
      %dma_start3A_598 = tpu.memref_squeeze %dma_start3A_597 : memref<1x32x512xf32, #tpu.memory_space<hbm>> -> memref<32x512xf32, #tpu.memory_space<hbm>>
      %dma_start3A_599 = arith.constant 0 : i32
      %dma_start3A_600 = arith.constant 0 : i32
      %dma_start3A_601 = tpu.memref_slice %arg7[%dma_start3A_588, %dma_start3A_599, %dma_start3A_600] : memref<2x32x512xf32, #tpu.memory_space<vmem>> -> memref<1x32x512xf32, #tpu.memory_space<vmem>>
      %dma_start3A_602 = tpu.memref_squeeze %dma_start3A_601 : memref<1x32x512xf32, #tpu.memory_space<vmem>> -> memref<32x512xf32, #tpu.memory_space<vmem>>
      tpu.enqueue_dma source(%dma_start3A_602 : memref<32x512xf32, #tpu.memory_space<vmem>>) target(%dma_start3A_598 : memref<32x512xf32, #tpu.memory_space<hbm>>) target_semaphore(%arg11 : memref<!tpu.dma_semaphore, #tpu.memory_space<semaphore_mem>>)
      %lt3A_603 = arith.constant 14 : i32
      %lt3A_604 = arith.cmpi slt, %add3A_560, %lt3A_603 : i32
      %convert_element_type3A_605 = arith.extui %lt3A_604 : i1 to i32
      %cond3A_606 = arith.constant 0 : i32
      %cond3A_607 = arith.cmpi ne, %convert_element_type3A_605, %cond3A_606 : i32
      scf.if %cond3A_607 {
        %add3A_608 = arith.constant 2 : i32
        %add3A_609 = arith.addi %add3A_560, %add3A_608 : i32
        %mul3A_610 = arith.constant 32 : i32
        %mul3A_611 = arith.muli %add3A_609, %mul3A_610 : i32
        %dma_start3A_612 = arith.constant 1 : i32
        %dma_start3A_613 = arith.constant 0 : i32
        %dma_start3A_614 = arith.constant 0 : i32
        %dma_start3A_615 = tpu.memref_slice %arg6[%dma_start3A_612, %dma_start3A_613, %dma_start3A_614] : memref<2x32x512xf32, #tpu.memory_space<vmem>> -> memref<1x32x512xf32, #tpu.memory_space<vmem>>
        %dma_start3A_616 = tpu.memref_squeeze %dma_start3A_615 : memref<1x32x512xf32, #tpu.memory_space<vmem>> -> memref<32x512xf32, #tpu.memory_space<vmem>>
        %dma_start3A_617 = arith.constant 0 : i32
        %dma_start3A_618 = tpu.memref_slice %arg2[%add3A_4, %mul3A_611, %dma_start3A_617] : memref<64x512x512xf32, #tpu.memory_space<hbm>> -> memref<1x32x512xf32, #tpu.memory_space<hbm>>
        %dma_start3A_619 = tpu.memref_squeeze %dma_start3A_618 : memref<1x32x512xf32, #tpu.memory_space<hbm>> -> memref<32x512xf32, #tpu.memory_space<hbm>>
        %dma_start3A_620 = arith.constant 0 : i32
        %dma_start3A_621 = arith.constant 0 : i32
        %dma_start3A_622 = tpu.memref_slice %arg6[%dma_start3A_612, %dma_start3A_620, %dma_start3A_621] : memref<2x32x512xf32, #tpu.memory_space<vmem>> -> memref<1x32x512xf32, #tpu.memory_space<vmem>>
        %dma_start3A_623 = tpu.memref_squeeze %dma_start3A_622 : memref<1x32x512xf32, #tpu.memory_space<vmem>> -> memref<32x512xf32, #tpu.memory_space<vmem>>
        %dma_start3A_624 = arith.constant 0 : i32
        %dma_start3A_625 = tpu.memref_slice %arg2[%add3A_4, %mul3A_611, %dma_start3A_624] : memref<64x512x512xf32, #tpu.memory_space<hbm>> -> memref<1x32x512xf32, #tpu.memory_space<hbm>>
        %dma_start3A_626 = tpu.memref_squeeze %dma_start3A_625 : memref<1x32x512xf32, #tpu.memory_space<hbm>> -> memref<32x512xf32, #tpu.memory_space<hbm>>
        tpu.enqueue_dma source(%dma_start3A_626 : memref<32x512xf32, #tpu.memory_space<hbm>>) target(%dma_start3A_623 : memref<32x512xf32, #tpu.memory_space<vmem>>) target_semaphore(%arg9 : memref<!tpu.dma_semaphore, #tpu.memory_space<semaphore_mem>>)
      } else {
      }
    }
    %scan3A_210 = arith.constant 8 : i32
    %dma_wait3A = arith.constant 0 : i32
    %dma_wait3A_211 = arith.constant 0 : i32
    %dma_wait3A_212 = arith.constant 0 : i32
    %dma_wait3A_213 = tpu.memref_slice %arg7[%dma_wait3A, %dma_wait3A_211, %dma_wait3A_212] : memref<2x32x512xf32, #tpu.memory_space<vmem>> -> memref<1x32x512xf32, #tpu.memory_space<vmem>>
    %dma_wait3A_214 = tpu.memref_squeeze %dma_wait3A_213 : memref<1x32x512xf32, #tpu.memory_space<vmem>> -> memref<32x512xf32, #tpu.memory_space<vmem>>
    %dma_wait3A_215 = arith.constant 448 : i32
    %dma_wait3A_216 = arith.constant 0 : i32
    %dma_wait3A_217 = tpu.memref_slice %arg4[%add3A_4, %dma_wait3A_215, %dma_wait3A_216] : memref<64x512x512xf32, #tpu.memory_space<hbm>> -> memref<1x32x512xf32, #tpu.memory_space<hbm>>
    %dma_wait3A_218 = tpu.memref_squeeze %dma_wait3A_217 : memref<1x32x512xf32, #tpu.memory_space<hbm>> -> memref<32x512xf32, #tpu.memory_space<hbm>>
    %dma_wait3A_219 = arith.constant 448 : i32
    %dma_wait3A_220 = arith.constant 0 : i32
    %dma_wait3A_221 = tpu.memref_slice %arg4[%add3A_4, %dma_wait3A_219, %dma_wait3A_220] : memref<64x512x512xf32, #tpu.memory_space<hbm>> -> memref<1x32x512xf32, #tpu.memory_space<hbm>>
    %dma_wait3A_222 = tpu.memref_squeeze %dma_wait3A_221 : memref<1x32x512xf32, #tpu.memory_space<hbm>> -> memref<32x512xf32, #tpu.memory_space<hbm>>
    %dma_wait3A_223 = arith.constant 0 : i32
    %dma_wait3A_224 = arith.constant 0 : i32
    %dma_wait3A_225 = tpu.memref_slice %arg7[%dma_wait3A, %dma_wait3A_223, %dma_wait3A_224] : memref<2x32x512xf32, #tpu.memory_space<vmem>> -> memref<1x32x512xf32, #tpu.memory_space<vmem>>
    %dma_wait3A_226 = tpu.memref_squeeze %dma_wait3A_225 : memref<1x32x512xf32, #tpu.memory_space<vmem>> -> memref<32x512xf32, #tpu.memory_space<vmem>>
    tpu.wait_dma2 semaphore(%arg10 : memref<!tpu.dma_semaphore, #tpu.memory_space<semaphore_mem>>) src(%dma_wait3A_226 : memref<32x512xf32, #tpu.memory_space<vmem>>) dst(%dma_wait3A_222 : memref<32x512xf32, #tpu.memory_space<hbm>>)
    %dma_wait3A_227 = arith.constant 1 : i32
    %dma_wait3A_228 = arith.constant 0 : i32
    %dma_wait3A_229 = arith.constant 0 : i32
    %dma_wait3A_230 = tpu.memref_slice %arg7[%dma_wait3A_227, %dma_wait3A_228, %dma_wait3A_229] : memref<2x32x512xf32, #tpu.memory_space<vmem>> -> memref<1x32x512xf32, #tpu.memory_space<vmem>>
    %dma_wait3A_231 = tpu.memref_squeeze %dma_wait3A_230 : memref<1x32x512xf32, #tpu.memory_space<vmem>> -> memref<32x512xf32, #tpu.memory_space<vmem>>
    %dma_wait3A_232 = arith.constant 480 : i32
    %dma_wait3A_233 = arith.constant 0 : i32
    %dma_wait3A_234 = tpu.memref_slice %arg4[%add3A_4, %dma_wait3A_232, %dma_wait3A_233] : memref<64x512x512xf32, #tpu.memory_space<hbm>> -> memref<1x32x512xf32, #tpu.memory_space<hbm>>
    %dma_wait3A_235 = tpu.memref_squeeze %dma_wait3A_234 : memref<1x32x512xf32, #tpu.memory_space<hbm>> -> memref<32x512xf32, #tpu.memory_space<hbm>>
    %dma_wait3A_236 = arith.constant 480 : i32
    %dma_wait3A_237 = arith.constant 0 : i32
    %dma_wait3A_238 = tpu.memref_slice %arg4[%add3A_4, %dma_wait3A_236, %dma_wait3A_237] : memref<64x512x512xf32, #tpu.memory_space<hbm>> -> memref<1x32x512xf32, #tpu.memory_space<hbm>>
    %dma_wait3A_239 = tpu.memref_squeeze %dma_wait3A_238 : memref<1x32x512xf32, #tpu.memory_space<hbm>> -> memref<32x512xf32, #tpu.memory_space<hbm>>
    %dma_wait3A_240 = arith.constant 0 : i32
    %dma_wait3A_241 = arith.constant 0 : i32
    %dma_wait3A_242 = tpu.memref_slice %arg7[%dma_wait3A_227, %dma_wait3A_240, %dma_wait3A_241] : memref<2x32x512xf32, #tpu.memory_space<vmem>> -> memref<1x32x512xf32, #tpu.memory_space<vmem>>
    %dma_wait3A_243 = tpu.memref_squeeze %dma_wait3A_242 : memref<1x32x512xf32, #tpu.memory_space<vmem>> -> memref<32x512xf32, #tpu.memory_space<vmem>>
    tpu.wait_dma2 semaphore(%arg11 : memref<!tpu.dma_semaphore, #tpu.memory_space<semaphore_mem>>) src(%dma_wait3A_243 : memref<32x512xf32, #tpu.memory_space<vmem>>) dst(%dma_wait3A_239 : memref<32x512xf32, #tpu.memory_space<hbm>>)
    %mul3A_244 = arith.constant 2 : i32
    %mul3A_245 = arith.muli %add3A, %mul3A_244 : i32
    %add3A_246 = arith.constant 1 : i32
    %add3A_247 = arith.addi %mul3A_245, %add3A_246 : i32
    %dma_start3A_248 = arith.constant 0 : i32
    %dma_start3A_249 = arith.constant 0 : i32
    %dma_start3A_250 = arith.constant 0 : i32
    %dma_start3A_251 = tpu.memref_slice %arg6[%dma_start3A_248, %dma_start3A_249, %dma_start3A_250] : memref<2x32x512xf32, #tpu.memory_space<vmem>> -> memref<1x32x512xf32, #tpu.memory_space<vmem>>
    %dma_start3A_252 = tpu.memref_squeeze %dma_start3A_251 : memref<1x32x512xf32, #tpu.memory_space<vmem>> -> memref<32x512xf32, #tpu.memory_space<vmem>>
    %dma_start3A_253 = arith.constant 0 : i32
    %dma_start3A_254 = arith.constant 0 : i32
    %dma_start3A_255 = tpu.memref_slice %arg2[%add3A_247, %dma_start3A_253, %dma_start3A_254] : memref<64x512x512xf32, #tpu.memory_space<hbm>> -> memref<1x32x512xf32, #tpu.memory_space<hbm>>
    %dma_start3A_256 = tpu.memref_squeeze %dma_start3A_255 : memref<1x32x512xf32, #tpu.memory_space<hbm>> -> memref<32x512xf32, #tpu.memory_space<hbm>>
    %dma_start3A_257 = arith.constant 0 : i32
    %dma_start3A_258 = arith.constant 0 : i32
    %dma_start3A_259 = tpu.memref_slice %arg6[%dma_start3A_248, %dma_start3A_257, %dma_start3A_258] : memref<2x32x512xf32, #tpu.memory_space<vmem>> -> memref<1x32x512xf32, #tpu.memory_space<vmem>>
    %dma_start3A_260 = tpu.memref_squeeze %dma_start3A_259 : memref<1x32x512xf32, #tpu.memory_space<vmem>> -> memref<32x512xf32, #tpu.memory_space<vmem>>
    %dma_start3A_261 = arith.constant 0 : i32
    %dma_start3A_262 = arith.constant 0 : i32
    %dma_start3A_263 = tpu.memref_slice %arg2[%add3A_247, %dma_start3A_261, %dma_start3A_262] : memref<64x512x512xf32, #tpu.memory_space<hbm>> -> memref<1x32x512xf32, #tpu.memory_space<hbm>>
    %dma_start3A_264 = tpu.memref_squeeze %dma_start3A_263 : memref<1x32x512xf32, #tpu.memory_space<hbm>> -> memref<32x512xf32, #tpu.memory_space<hbm>>
    tpu.enqueue_dma source(%dma_start3A_264 : memref<32x512xf32, #tpu.memory_space<hbm>>) target(%dma_start3A_260 : memref<32x512xf32, #tpu.memory_space<vmem>>) target_semaphore(%arg8 : memref<!tpu.dma_semaphore, #tpu.memory_space<semaphore_mem>>)
    %dma_start3A_265 = arith.constant 1 : i32
    %dma_start3A_266 = arith.constant 0 : i32
    %dma_start3A_267 = arith.constant 0 : i32
    %dma_start3A_268 = tpu.memref_slice %arg6[%dma_start3A_265, %dma_start3A_266, %dma_start3A_267] : memref<2x32x512xf32, #tpu.memory_space<vmem>> -> memref<1x32x512xf32, #tpu.memory_space<vmem>>
    %dma_start3A_269 = tpu.memref_squeeze %dma_start3A_268 : memref<1x32x512xf32, #tpu.memory_space<vmem>> -> memref<32x512xf32, #tpu.memory_space<vmem>>
    %dma_start3A_270 = arith.constant 32 : i32
    %dma_start3A_271 = arith.constant 0 : i32
    %dma_start3A_272 = tpu.memref_slice %arg2[%add3A_247, %dma_start3A_270, %dma_start3A_271] : memref<64x512x512xf32, #tpu.memory_space<hbm>> -> memref<1x32x512xf32, #tpu.memory_space<hbm>>
    %dma_start3A_273 = tpu.memref_squeeze %dma_start3A_272 : memref<1x32x512xf32, #tpu.memory_space<hbm>> -> memref<32x512xf32, #tpu.memory_space<hbm>>
    %dma_start3A_274 = arith.constant 0 : i32
    %dma_start3A_275 = arith.constant 0 : i32
    %dma_start3A_276 = tpu.memref_slice %arg6[%dma_start3A_265, %dma_start3A_274, %dma_start3A_275] : memref<2x32x512xf32, #tpu.memory_space<vmem>> -> memref<1x32x512xf32, #tpu.memory_space<vmem>>
    %dma_start3A_277 = tpu.memref_squeeze %dma_start3A_276 : memref<1x32x512xf32, #tpu.memory_space<vmem>> -> memref<32x512xf32, #tpu.memory_space<vmem>>
    %dma_start3A_278 = arith.constant 32 : i32
    %dma_start3A_279 = arith.constant 0 : i32
    %dma_start3A_280 = tpu.memref_slice %arg2[%add3A_247, %dma_start3A_278, %dma_start3A_279] : memref<64x512x512xf32, #tpu.memory_space<hbm>> -> memref<1x32x512xf32, #tpu.memory_space<hbm>>
    %dma_start3A_281 = tpu.memref_squeeze %dma_start3A_280 : memref<1x32x512xf32, #tpu.memory_space<hbm>> -> memref<32x512xf32, #tpu.memory_space<hbm>>
    tpu.enqueue_dma source(%dma_start3A_281 : memref<32x512xf32, #tpu.memory_space<hbm>>) target(%dma_start3A_277 : memref<32x512xf32, #tpu.memory_space<vmem>>) target_semaphore(%arg9 : memref<!tpu.dma_semaphore, #tpu.memory_space<semaphore_mem>>)
    "tpu.region"() ({
      %run_scoped3A = tpu.sem_alloc : memref<!tpu.dma_semaphore, #tpu.memory_space<semaphore_mem>>
      %dma_start3A_508 = arith.constant 0 : i32
      %dma_start3A_509 = tpu.memref_slice %arg3[%add3A_247, %dma_start3A_508] : memref<64x16xf32, #tpu.memory_space<hbm>> -> memref<1x16xf32, #tpu.memory_space<hbm>>
      %dma_start3A_510 = tpu.memref_squeeze %dma_start3A_509 : memref<1x16xf32, #tpu.memory_space<hbm>> -> memref<16xf32, #tpu.memory_space<hbm>>
      %dma_start3A_511 = arith.constant 0 : i32
      %dma_start3A_512 = tpu.memref_slice %arg3[%add3A_247, %dma_start3A_511] : memref<64x16xf32, #tpu.memory_space<hbm>> -> memref<1x16xf32, #tpu.memory_space<hbm>>
      %dma_start3A_513 = tpu.memref_squeeze %dma_start3A_512 : memref<1x16xf32, #tpu.memory_space<hbm>> -> memref<16xf32, #tpu.memory_space<hbm>>
      tpu.enqueue_dma source(%dma_start3A_513 : memref<16xf32, #tpu.memory_space<hbm>>) target(%arg5 : memref<16xf32, #tpu.memory_space<vmem>>) target_semaphore(%run_scoped3A : memref<!tpu.dma_semaphore, #tpu.memory_space<semaphore_mem>>)
      %dma_wait3A_514 = arith.constant 0 : i32
      %dma_wait3A_515 = tpu.memref_slice %arg3[%add3A_247, %dma_wait3A_514] : memref<64x16xf32, #tpu.memory_space<hbm>> -> memref<1x16xf32, #tpu.memory_space<hbm>>
      %dma_wait3A_516 = tpu.memref_squeeze %dma_wait3A_515 : memref<1x16xf32, #tpu.memory_space<hbm>> -> memref<16xf32, #tpu.memory_space<hbm>>
      %dma_wait3A_517 = arith.constant 0 : i32
      %dma_wait3A_518 = tpu.memref_slice %arg3[%add3A_247, %dma_wait3A_517] : memref<64x16xf32, #tpu.memory_space<hbm>> -> memref<1x16xf32, #tpu.memory_space<hbm>>
      %dma_wait3A_519 = tpu.memref_squeeze %dma_wait3A_518 : memref<1x16xf32, #tpu.memory_space<hbm>> -> memref<16xf32, #tpu.memory_space<hbm>>
      tpu.wait_dma2 semaphore(%run_scoped3A : memref<!tpu.dma_semaphore, #tpu.memory_space<semaphore_mem>>) src(%dma_wait3A_519 : memref<16xf32, #tpu.memory_space<hbm>>) dst(%arg5 : memref<16xf32, #tpu.memory_space<vmem>>)
      tpu.yield
    }) : () -> ()
    %get3A_282 = arith.constant 0 : index
    %get3A_283 = tpu.vector_load %arg5[%get3A_282] {strides = array<i32>} : memref<16xf32, #tpu.memory_space<vmem>>, vector<16xf32>,
    %get3A_284 = vector.shape_cast %get3A_283 : vector<16xf32> to vector<16xf32>
    %broadcast_in_dim3A_285 = arith.constant 0 : i32
    %broadcast_in_dim3A_286 = vector.broadcast %broadcast_in_dim3A_285 : i32 to vector<16xi32>
    %broadcast_in_dim3A_287 = vector.shape_cast %broadcast_in_dim3A_286 : vector<16xi32> to vector<16x1xi32>
    %gather3A_288 = vector.shape_cast %broadcast_in_dim3A_287 : vector<16x1xi32> to vector<16xi32>
    %gather3A_289 = tpu.dynamic_gather %get3A_284[%gather3A_288] in [0] : vector<16xf32>, vector<16xi32> -> vector<16xf32>
    %neg3A_290 = arith.constant 0.000000e+00 : f32
    %neg3A_291 = vector.broadcast %neg3A_290 : f32 to vector<16xf32>
    %neg3A_292 = arith.subf %neg3A_291, %gather3A_289 : vector<16xf32>
    %exp3A_293 = math.exp %neg3A_292 : vector<16xf32>
    %add3A_294 = arith.constant 1.000000e+00 : f32
    %add3A_295 = vector.broadcast %add3A_294 : f32 to vector<16xf32>
    %add3A_296 = arith.addf %add3A_295, %exp3A_293 : vector<16xf32>
    %div3A_297 = arith.constant 2.500000e-02 : f32
    %div3A_298 = vector.broadcast %div3A_297 : f32 to vector<16xf32>
    %div3A_299 = arith.divf %div3A_298, %add3A_296 : vector<16xf32>
    %ge3A_300 = arith.constant 1 : i32
    %ge3A_301 = vector.broadcast %ge3A_300 : i32 to vector<16xi32>
    %ge3A_302 = arith.cmpi sge, %iota3A, %ge3A_301 : vector<16xi32>
    %gt3A_303 = arith.constant 2.000000e+01 : f32
    %gt3A_304 = vector.broadcast %gt3A_303 : f32 to vector<16xf32>
    %gt3A_305 = arith.cmpf ogt, %get3A_284, %gt3A_304 : vector<16xf32>
    %exp3A_306 = math.exp %get3A_284 : vector<16xf32>
    %add3A_307 = arith.constant 1.000000e+00 : f32
    %add3A_308 = vector.broadcast %add3A_307 : f32 to vector<16xf32>
    %add3A_309 = arith.addf %add3A_308, %exp3A_306 : vector<16xf32>
    %bitcast_convert_type3A_310 = tpu.bitcast %add3A_309 : vector<16xf32> -> vector<16xi32>
    %shift_right_arithmetic3A_311 = arith.constant 23 : i32
    %shift_right_arithmetic3A_312 = vector.broadcast %shift_right_arithmetic3A_311 : i32 to vector<16xi32>
    %shift_right_arithmetic3A_313 = arith.shrsi %bitcast_convert_type3A_310, %shift_right_arithmetic3A_312 : vector<16xi32>
    %sub3A_314 = arith.constant 127 : i32
    %sub3A_315 = vector.broadcast %sub3A_314 : i32 to vector<16xi32>
    %sub3A_316 = arith.subi %shift_right_arithmetic3A_313, %sub3A_315 : vector<16xi32>
    %and3A_317 = arith.constant 8388607 : i32
    %and3A_318 = vector.broadcast %and3A_317 : i32 to vector<16xi32>
    %and3A_319 = arith.andi %bitcast_convert_type3A_310, %and3A_318 : vector<16xi32>
    %or3A_320 = arith.constant 1065353216 : i32
    %or3A_321 = vector.broadcast %or3A_320 : i32 to vector<16xi32>
    %or3A_322 = arith.ori %and3A_319, %or3A_321 : vector<16xi32>
    %bitcast_convert_type3A_323 = tpu.bitcast %or3A_322 : vector<16xi32> -> vector<16xf32>
    %gt3A_324 = arith.constant 1.41421354 : f32
    %gt3A_325 = vector.broadcast %gt3A_324 : f32 to vector<16xf32>
    %gt3A_326 = arith.cmpf ogt, %bitcast_convert_type3A_323, %gt3A_325 : vector<16xf32>
    %mul3A_327 = arith.constant 5.000000e-01 : f32
    %mul3A_328 = vector.broadcast %mul3A_327 : f32 to vector<16xf32>
    %mul3A_329 = arith.mulf %bitcast_convert_type3A_323, %mul3A_328 : vector<16xf32>
    %select_n3A_330 = arith.select %gt3A_326, %mul3A_329, %bitcast_convert_type3A_323 : vector<16xi1>, vector<16xf32>
    %add3A_331 = arith.constant 1 : i32
    %add3A_332 = vector.broadcast %add3A_331 : i32 to vector<16xi32>
    %add3A_333 = arith.addi %sub3A_316, %add3A_332 : vector<16xi32>
    %select_n3A_334 = arith.select %gt3A_326, %add3A_333, %sub3A_316 : vector<16xi1>, vector<16xi32>
    %sub3A_335 = arith.constant 1.000000e+00 : f32
    %sub3A_336 = vector.broadcast %sub3A_335 : f32 to vector<16xf32>
    %sub3A_337 = arith.subf %select_n3A_330, %sub3A_336 : vector<16xf32>
    %add3A_338 = arith.constant 1.000000e+00 : f32
    %add3A_339 = vector.broadcast %add3A_338 : f32 to vector<16xf32>
    %add3A_340 = arith.addf %select_n3A_330, %add3A_339 : vector<16xf32>
    %div3A_341 = arith.divf %sub3A_337, %add3A_340 : vector<16xf32>
    %mul3A_342 = arith.mulf %div3A_341, %div3A_341 : vector<16xf32>
    %mul3A_343 = arith.constant 0.111111112 : f32
    %mul3A_344 = vector.broadcast %mul3A_343 : f32 to vector<16xf32>
    %mul3A_345 = arith.mulf %mul3A_342, %mul3A_344 : vector<16xf32>
    %add3A_346 = arith.constant 0.142857149 : f32
    %add3A_347 = vector.broadcast %add3A_346 : f32 to vector<16xf32>
    %add3A_348 = arith.addf %add3A_347, %mul3A_345 : vector<16xf32>
    %mul3A_349 = arith.mulf %mul3A_342, %add3A_348 : vector<16xf32>
    %add3A_350 = arith.constant 2.000000e-01 : f32
    %add3A_351 = vector.broadcast %add3A_350 : f32 to vector<16xf32>
    %add3A_352 = arith.addf %add3A_351, %mul3A_349 : vector<16xf32>
    %mul3A_353 = arith.mulf %mul3A_342, %add3A_352 : vector<16xf32>
    %add3A_354 = arith.constant 0.333333343 : f32
    %add3A_355 = vector.broadcast %add3A_354 : f32 to vector<16xf32>
    %add3A_356 = arith.addf %add3A_355, %mul3A_353 : vector<16xf32>
    %mul3A_357 = arith.mulf %mul3A_342, %add3A_356 : vector<16xf32>
    %add3A_358 = arith.constant 1.000000e+00 : f32
    %add3A_359 = vector.broadcast %add3A_358 : f32 to vector<16xf32>
    %add3A_360 = arith.addf %add3A_359, %mul3A_357 : vector<16xf32>
    %mul3A_361 = arith.constant 2.000000e+00 : f32
    %mul3A_362 = vector.broadcast %mul3A_361 : f32 to vector<16xf32>
    %mul3A_363 = arith.mulf %mul3A_362, %div3A_341 : vector<16xf32>
    %mul3A_364 = arith.mulf %mul3A_363, %add3A_360 : vector<16xf32>
    %convert_element_type3A_365 = arith.sitofp %select_n3A_334 : vector<16xi32> to vector<16xf32>
    %mul3A_366 = arith.constant 0.693147182 : f32
    %mul3A_367 = vector.broadcast %mul3A_366 : f32 to vector<16xf32>
    %mul3A_368 = arith.mulf %convert_element_type3A_365, %mul3A_367 : vector<16xf32>
    %add3A_369 = arith.addf %mul3A_364, %mul3A_368 : vector<16xf32>
    %select_n3A_370 = arith.select %gt3A_305, %get3A_284, %add3A_369 : vector<16xi1>, vector<16xf32>
    %add3A_371 = arith.constant 2.000000e-02 : f32
    %add3A_372 = vector.broadcast %add3A_371 : f32 to vector<16xf32>
    %add3A_373 = arith.addf %select_n3A_370, %add3A_372 : vector<16xf32>
    %jit3A_374 = arith.constant 0.000000e+00 : f32
    %broadcast_in_dim3A_375 = vector.broadcast %jit3A_374 : f32 to vector<16xf32>
    %select_n3A_376 = arith.select %ge3A_302, %add3A_373, %broadcast_in_dim3A_375 : vector<16xi1>, vector<16xf32>
    %sub3A_377 = arith.constant 1 : i32
    %sub3A_378 = vector.broadcast %sub3A_377 : i32 to vector<16xi32>
    %sub3A_379 = arith.subi %iota3A, %sub3A_378 : vector<16xi32>
    %max3A_380 = arith.constant 0 : i32
    %max3A_381 = vector.broadcast %max3A_380 : i32 to vector<16xi32>
    %max3A_382 = arith.maxsi %sub3A_379, %max3A_381 : vector<16xi32>
    %broadcast_in_dim3A_383 = vector.shape_cast %max3A_382 : vector<16xi32> to vector<16x1xi32>
    %gather3A_384 = vector.shape_cast %broadcast_in_dim3A_383 : vector<16x1xi32> to vector<16xi32>
    %gather3A_385 = tpu.dynamic_gather %select_n3A_376[%gather3A_384] in [0] : vector<16xf32>, vector<16xi32> -> vector<16xf32>
    %ge3A_386 = arith.constant 1 : i32
    %ge3A_387 = vector.broadcast %ge3A_386 : i32 to vector<16xi32>
    %ge3A_388 = arith.cmpi sge, %iota3A, %ge3A_387 : vector<16xi32>
    %jit3A_389 = arith.constant 0.000000e+00 : f32
    %broadcast_in_dim3A_390 = vector.broadcast %jit3A_389 : f32 to vector<16xf32>
    %select_n3A_391 = arith.select %ge3A_388, %gather3A_385, %broadcast_in_dim3A_390 : vector<16xi1>, vector<16xf32>
    %add3A_392 = arith.addf %select_n3A_376, %select_n3A_391 : vector<16xf32>
    %sub3A_393 = arith.constant 2 : i32
    %sub3A_394 = vector.broadcast %sub3A_393 : i32 to vector<16xi32>
    %sub3A_395 = arith.subi %iota3A, %sub3A_394 : vector<16xi32>
    %max3A_396 = arith.constant 0 : i32
    %max3A_397 = vector.broadcast %max3A_396 : i32 to vector<16xi32>
    %max3A_398 = arith.maxsi %sub3A_395, %max3A_397 : vector<16xi32>
    %broadcast_in_dim3A_399 = vector.shape_cast %max3A_398 : vector<16xi32> to vector<16x1xi32>
    %gather3A_400 = vector.shape_cast %broadcast_in_dim3A_399 : vector<16x1xi32> to vector<16xi32>
    %gather3A_401 = tpu.dynamic_gather %add3A_392[%gather3A_400] in [0] : vector<16xf32>, vector<16xi32> -> vector<16xf32>
    %ge3A_402 = arith.constant 2 : i32
    %ge3A_403 = vector.broadcast %ge3A_402 : i32 to vector<16xi32>
    %ge3A_404 = arith.cmpi sge, %iota3A, %ge3A_403 : vector<16xi32>
    %jit3A_405 = arith.constant 0.000000e+00 : f32
    %broadcast_in_dim3A_406 = vector.broadcast %jit3A_405 : f32 to vector<16xf32>
    %select_n3A_407 = arith.select %ge3A_404, %gather3A_401, %broadcast_in_dim3A_406 : vector<16xi1>, vector<16xf32>
    %add3A_408 = arith.addf %add3A_392, %select_n3A_407 : vector<16xf32>
    %sub3A_409 = arith.constant 4 : i32
    %sub3A_410 = vector.broadcast %sub3A_409 : i32 to vector<16xi32>
    %sub3A_411 = arith.subi %iota3A, %sub3A_410 : vector<16xi32>
    %max3A_412 = arith.constant 0 : i32
    %max3A_413 = vector.broadcast %max3A_412 : i32 to vector<16xi32>
    %max3A_414 = arith.maxsi %sub3A_411, %max3A_413 : vector<16xi32>
    %broadcast_in_dim3A_415 = vector.shape_cast %max3A_414 : vector<16xi32> to vector<16x1xi32>
    %gather3A_416 = vector.shape_cast %broadcast_in_dim3A_415 : vector<16x1xi32> to vector<16xi32>
    %gather3A_417 = tpu.dynamic_gather %add3A_408[%gather3A_416] in [0] : vector<16xf32>, vector<16xi32> -> vector<16xf32>
    %ge3A_418 = arith.constant 4 : i32
    %ge3A_419 = vector.broadcast %ge3A_418 : i32 to vector<16xi32>
    %ge3A_420 = arith.cmpi sge, %iota3A, %ge3A_419 : vector<16xi32>
    %jit3A_421 = arith.constant 0.000000e+00 : f32
    %broadcast_in_dim3A_422 = vector.broadcast %jit3A_421 : f32 to vector<16xf32>
    %select_n3A_423 = arith.select %ge3A_420, %gather3A_417, %broadcast_in_dim3A_422 : vector<16xi1>, vector<16xf32>
    %add3A_424 = arith.addf %add3A_408, %select_n3A_423 : vector<16xf32>
    %sub3A_425 = arith.constant 8 : i32
    %sub3A_426 = vector.broadcast %sub3A_425 : i32 to vector<16xi32>
    %sub3A_427 = arith.subi %iota3A, %sub3A_426 : vector<16xi32>
    %max3A_428 = arith.constant 0 : i32
    %max3A_429 = vector.broadcast %max3A_428 : i32 to vector<16xi32>
    %max3A_430 = arith.maxsi %sub3A_427, %max3A_429 : vector<16xi32>
    %broadcast_in_dim3A_431 = vector.shape_cast %max3A_430 : vector<16xi32> to vector<16x1xi32>
    %gather3A_432 = vector.shape_cast %broadcast_in_dim3A_431 : vector<16x1xi32> to vector<16xi32>
    %gather3A_433 = tpu.dynamic_gather %add3A_424[%gather3A_432] in [0] : vector<16xf32>, vector<16xi32> -> vector<16xf32>
    %ge3A_434 = arith.constant 8 : i32
    %ge3A_435 = vector.broadcast %ge3A_434 : i32 to vector<16xi32>
    %ge3A_436 = arith.cmpi sge, %iota3A, %ge3A_435 : vector<16xi32>
    %jit3A_437 = arith.constant 0.000000e+00 : f32
    %broadcast_in_dim3A_438 = vector.broadcast %jit3A_437 : f32 to vector<16xf32>
    %select_n3A_439 = arith.select %ge3A_436, %gather3A_433, %broadcast_in_dim3A_438 : vector<16xi1>, vector<16xf32>
    %add3A_440 = arith.addf %add3A_424, %select_n3A_439 : vector<16xf32>
    %broadcast_in_dim3A_441 = arith.constant 15 : i32
    %broadcast_in_dim3A_442 = vector.broadcast %broadcast_in_dim3A_441 : i32 to vector<16xi32>
    %broadcast_in_dim3A_443 = vector.shape_cast %broadcast_in_dim3A_442 : vector<16xi32> to vector<16x1xi32>
    %gather3A_444 = vector.shape_cast %broadcast_in_dim3A_443 : vector<16x1xi32> to vector<16xi32>
    %gather3A_445 = tpu.dynamic_gather %add3A_440[%gather3A_444] in [0] : vector<16xf32>, vector<16xi32> -> vector<16xf32>
    %max3A_446 = arith.constant 9.99999997E-7 : f32
    %max3A_447 = vector.broadcast %max3A_446 : f32 to vector<16xf32>
    %max3A_448 = arith.maximumf %gather3A_445, %max3A_447 : vector<16xf32>
    %div3A_449 = arith.divf %add3A_440, %max3A_448 : vector<16xf32>
    %sub3A_450 = arith.constant 1.000000e+00 : f32
    %sub3A_451 = vector.broadcast %sub3A_450 : f32 to vector<16xf32>
    %sub3A_452 = arith.subf %sub3A_451, %div3A_299 : vector<16xf32>
    %mul3A_453 = arith.mulf %div3A_449, %sub3A_452 : vector<16xf32>
    %add3A_454 = arith.addf %div3A_299, %mul3A_453 : vector<16xf32>
    %add3A_455 = arith.constant 1 : i32
    %add3A_456 = vector.broadcast %add3A_455 : i32 to vector<16xi32>
    %add3A_457 = arith.addi %iota3A, %add3A_456 : vector<16xi32>
    %min3A_458 = arith.constant 15 : i32
    %min3A_459 = vector.broadcast %min3A_458 : i32 to vector<16xi32>
    %min3A_460 = arith.minsi %add3A_457, %min3A_459 : vector<16xi32>
    %broadcast_in_dim3A_461 = vector.shape_cast %min3A_460 : vector<16xi32> to vector<16x1xi32>
    %gather3A_462 = vector.shape_cast %broadcast_in_dim3A_461 : vector<16x1xi32> to vector<16xi32>
    %gather3A_463 = tpu.dynamic_gather %add3A_454[%gather3A_462] in [0] : vector<16xf32>, vector<16xi32> -> vector<16xf32>
    %sub3A_464 = arith.subf %gather3A_463, %add3A_454 : vector<16xf32>
    %convert_element_type3A_465 = arith.sitofp %iota3A : vector<16xi32> to vector<16xf32>
    %mul3A_466 = arith.mulf %convert_element_type3A_465, %sub3A_464 : vector<16xf32>
    %sub3A_467 = arith.subf %add3A_454, %mul3A_466 : vector<16xf32>
    %scan3A_468 = arith.constant 0 : i32
    %scan3A_469 = arith.constant 0 : i32
    %scan3A_470 = arith.constant 8 : i32
    %scan3A_471 = arith.addi %scan3A_469, %scan3A_470 : i32
    %scan3A_472 = arith.constant 1 : i32
    scf.for %scan3A_508 = %scan3A_469 to %scan3A_471 step %scan3A_472  : i32 {
      %mul3A_509 = arith.constant 2 : i32
      %mul3A_510 = arith.muli %scan3A_508, %mul3A_509 : i32
      %add3A_511 = arith.constant 0 : i32
      %add3A_512 = arith.addi %mul3A_510, %add3A_511 : i32
      %mul3A_513 = arith.constant 32 : i32
      %mul3A_514 = arith.muli %add3A_512, %mul3A_513 : i32
      %dma_wait3A_515 = arith.constant 0 : i32
      %dma_wait3A_516 = arith.constant 0 : i32
      %dma_wait3A_517 = arith.constant 0 : i32
      %dma_wait3A_518 = tpu.memref_slice %arg6[%dma_wait3A_515, %dma_wait3A_516, %dma_wait3A_517] : memref<2x32x512xf32, #tpu.memory_space<vmem>> -> memref<1x32x512xf32, #tpu.memory_space<vmem>>
      %dma_wait3A_519 = tpu.memref_squeeze %dma_wait3A_518 : memref<1x32x512xf32, #tpu.memory_space<vmem>> -> memref<32x512xf32, #tpu.memory_space<vmem>>
      %dma_wait3A_520 = arith.constant 0 : i32
      %dma_wait3A_521 = tpu.memref_slice %arg2[%add3A_247, %mul3A_514, %dma_wait3A_520] : memref<64x512x512xf32, #tpu.memory_space<hbm>> -> memref<1x32x512xf32, #tpu.memory_space<hbm>>
      %dma_wait3A_522 = tpu.memref_squeeze %dma_wait3A_521 : memref<1x32x512xf32, #tpu.memory_space<hbm>> -> memref<32x512xf32, #tpu.memory_space<hbm>>
      %dma_wait3A_523 = arith.constant 0 : i32
      %dma_wait3A_524 = arith.constant 0 : i32
      %dma_wait3A_525 = tpu.memref_slice %arg6[%dma_wait3A_515, %dma_wait3A_523, %dma_wait3A_524] : memref<2x32x512xf32, #tpu.memory_space<vmem>> -> memref<1x32x512xf32, #tpu.memory_space<vmem>>
      %dma_wait3A_526 = tpu.memref_squeeze %dma_wait3A_525 : memref<1x32x512xf32, #tpu.memory_space<vmem>> -> memref<32x512xf32, #tpu.memory_space<vmem>>
      %dma_wait3A_527 = arith.constant 0 : i32
      %dma_wait3A_528 = tpu.memref_slice %arg2[%add3A_247, %mul3A_514, %dma_wait3A_527] : memref<64x512x512xf32, #tpu.memory_space<hbm>> -> memref<1x32x512xf32, #tpu.memory_space<hbm>>
      %dma_wait3A_529 = tpu.memref_squeeze %dma_wait3A_528 : memref<1x32x512xf32, #tpu.memory_space<hbm>> -> memref<32x512xf32, #tpu.memory_space<hbm>>
      tpu.wait_dma2 semaphore(%arg8 : memref<!tpu.dma_semaphore, #tpu.memory_space<semaphore_mem>>) src(%dma_wait3A_529 : memref<32x512xf32, #tpu.memory_space<hbm>>) dst(%dma_wait3A_526 : memref<32x512xf32, #tpu.memory_space<vmem>>)
      %ge3A_530 = arith.constant 2 : i32
      %ge3A_531 = arith.cmpi sge, %add3A_512, %ge3A_530 : i32
      %convert_element_type3A_532 = arith.extui %ge3A_531 : i1 to i32
      %cond3A = arith.constant 0 : i32
      %cond3A_533 = arith.cmpi ne, %convert_element_type3A_532, %cond3A : i32
      scf.if %cond3A_533 {
        %sub3A_608 = arith.constant 2 : i32
        %sub3A_609 = arith.subi %add3A_512, %sub3A_608 : i32
        %mul3A_610 = arith.constant 32 : i32
        %mul3A_611 = arith.muli %sub3A_609, %mul3A_610 : i32
        %dma_wait3A_612 = arith.constant 0 : i32
        %dma_wait3A_613 = arith.constant 0 : i32
        %dma_wait3A_614 = arith.constant 0 : i32
        %dma_wait3A_615 = tpu.memref_slice %arg7[%dma_wait3A_612, %dma_wait3A_613, %dma_wait3A_614] : memref<2x32x512xf32, #tpu.memory_space<vmem>> -> memref<1x32x512xf32, #tpu.memory_space<vmem>>
        %dma_wait3A_616 = tpu.memref_squeeze %dma_wait3A_615 : memref<1x32x512xf32, #tpu.memory_space<vmem>> -> memref<32x512xf32, #tpu.memory_space<vmem>>
        %dma_wait3A_617 = arith.constant 0 : i32
        %dma_wait3A_618 = tpu.memref_slice %arg4[%add3A_247, %mul3A_611, %dma_wait3A_617] : memref<64x512x512xf32, #tpu.memory_space<hbm>> -> memref<1x32x512xf32, #tpu.memory_space<hbm>>
        %dma_wait3A_619 = tpu.memref_squeeze %dma_wait3A_618 : memref<1x32x512xf32, #tpu.memory_space<hbm>> -> memref<32x512xf32, #tpu.memory_space<hbm>>
        %dma_wait3A_620 = arith.constant 0 : i32
        %dma_wait3A_621 = tpu.memref_slice %arg4[%add3A_247, %mul3A_611, %dma_wait3A_620] : memref<64x512x512xf32, #tpu.memory_space<hbm>> -> memref<1x32x512xf32, #tpu.memory_space<hbm>>
        %dma_wait3A_622 = tpu.memref_squeeze %dma_wait3A_621 : memref<1x32x512xf32, #tpu.memory_space<hbm>> -> memref<32x512xf32, #tpu.memory_space<hbm>>
        %dma_wait3A_623 = arith.constant 0 : i32
        %dma_wait3A_624 = arith.constant 0 : i32
        %dma_wait3A_625 = tpu.memref_slice %arg7[%dma_wait3A_612, %dma_wait3A_623, %dma_wait3A_624] : memref<2x32x512xf32, #tpu.memory_space<vmem>> -> memref<1x32x512xf32, #tpu.memory_space<vmem>>
        %dma_wait3A_626 = tpu.memref_squeeze %dma_wait3A_625 : memref<1x32x512xf32, #tpu.memory_space<vmem>> -> memref<32x512xf32, #tpu.memory_space<vmem>>
        tpu.wait_dma2 semaphore(%arg10 : memref<!tpu.dma_semaphore, #tpu.memory_space<semaphore_mem>>) src(%dma_wait3A_626 : memref<32x512xf32, #tpu.memory_space<vmem>>) dst(%dma_wait3A_622 : memref<32x512xf32, #tpu.memory_space<hbm>>)
      } else {
      }
      %parallel_loop3A = arith.constant 0 : i32
      %parallel_loop3A_534 = arith.constant 1024 : i32
      %parallel_loop3A_535 = arith.constant 1 : i32
      scf.for %parallel_loop3A_608 = %parallel_loop3A to %parallel_loop3A_534 step %parallel_loop3A_535  : i32 {
        %parallel_loop3A_609 = arith.constant 32 : i32
        %parallel_loop3A_610 = arith.divsi %parallel_loop3A_608, %parallel_loop3A_609 : i32
        %parallel_loop3A_611 = arith.constant 0 : i32
        %parallel_loop3A_612 = arith.cmpi sgt, %parallel_loop3A_608, %parallel_loop3A_611 : i32
        %parallel_loop3A_613 = arith.extui %parallel_loop3A_612 : i1 to i32
        %parallel_loop3A_614 = arith.constant 0 : i32
        %parallel_loop3A_615 = arith.cmpi slt, %parallel_loop3A_608, %parallel_loop3A_614 : i32
        %parallel_loop3A_616 = arith.extui %parallel_loop3A_615 : i1 to i32
        %parallel_loop3A_617 = arith.subi %parallel_loop3A_613, %parallel_loop3A_616 : i32
        %parallel_loop3A_618 = arith.constant 0 : i32
        %parallel_loop3A_619 = arith.cmpi sgt, %parallel_loop3A_609, %parallel_loop3A_618 : i32
        %parallel_loop3A_620 = arith.extui %parallel_loop3A_619 : i1 to i32
        %parallel_loop3A_621 = arith.constant 0 : i32
        %parallel_loop3A_622 = arith.cmpi slt, %parallel_loop3A_609, %parallel_loop3A_621 : i32
        %parallel_loop3A_623 = arith.extui %parallel_loop3A_622 : i1 to i32
        %parallel_loop3A_624 = arith.subi %parallel_loop3A_620, %parallel_loop3A_623 : i32
        %parallel_loop3A_625 = arith.cmpi ne, %parallel_loop3A_617, %parallel_loop3A_624 : i32
        %parallel_loop3A_626 = arith.remsi %parallel_loop3A_608, %parallel_loop3A_609 : i32
        %parallel_loop3A_627 = arith.constant 0 : i32
        %parallel_loop3A_628 = arith.cmpi ne, %parallel_loop3A_626, %parallel_loop3A_627 : i32
        %parallel_loop3A_629 = arith.andi %parallel_loop3A_625, %parallel_loop3A_628 : i1
        %parallel_loop3A_630 = arith.constant 1 : i32
        %parallel_loop3A_631 = arith.subi %parallel_loop3A_610, %parallel_loop3A_630 : i32
        %parallel_loop3A_632 = arith.select %parallel_loop3A_629, %parallel_loop3A_631, %parallel_loop3A_610 : i32
        %parallel_loop3A_633 = arith.constant 32 : i32
        %parallel_loop3A_634 = arith.constant 0 : i32
        %parallel_loop3A_635 = arith.cmpi eq, %parallel_loop3A_633, %parallel_loop3A_634 : i32
        %parallel_loop3A_636 = arith.constant 1 : i32
        %parallel_loop3A_637 = arith.select %parallel_loop3A_635, %parallel_loop3A_636, %parallel_loop3A_633 : i32
        %parallel_loop3A_638 = arith.remsi %parallel_loop3A_608, %parallel_loop3A_637 : i32
        %parallel_loop3A_639 = arith.constant 0 : i32
        %parallel_loop3A_640 = arith.cmpi ne, %parallel_loop3A_638, %parallel_loop3A_639 : i32
        %parallel_loop3A_641 = arith.constant 0 : i32
        %parallel_loop3A_642 = arith.cmpi slt, %parallel_loop3A_638, %parallel_loop3A_641 : i32
        %parallel_loop3A_643 = arith.constant 0 : i32
        %parallel_loop3A_644 = arith.cmpi slt, %parallel_loop3A_637, %parallel_loop3A_643 : i32
        %parallel_loop3A_645 = arith.xori %parallel_loop3A_642, %parallel_loop3A_644 : i1
        %parallel_loop3A_646 = arith.andi %parallel_loop3A_645, %parallel_loop3A_640 : i1
        %parallel_loop3A_647 = arith.addi %parallel_loop3A_638, %parallel_loop3A_637 : i32
        %parallel_loop3A_648 = arith.select %parallel_loop3A_646, %parallel_loop3A_647, %parallel_loop3A_638 : i32
        %parallel_loop3A_649 = arith.constant 16 : i32
        %parallel_loop3A_650 = arith.muli %parallel_loop3A_648, %parallel_loop3A_649 : i32
        %parallel_loop3A_651 = arith.constant 0 : i32
        %parallel_loop3A_652 = arith.index_cast %parallel_loop3A_651 : i32 to index
        %parallel_loop3A_653 = arith.index_cast %parallel_loop3A_632 : i32 to index
        %parallel_loop3A_654 = arith.index_cast %parallel_loop3A_650 : i32 to index
        %parallel_loop3A_655 = tpu.vector_load %arg6[%parallel_loop3A_652, %parallel_loop3A_653, %parallel_loop3A_654] {strides = array<i32>} : memref<2x32x512xf32, #tpu.memory_space<vmem>>, vector<1x1x16xf32>,
        %parallel_loop3A_656 = vector.shape_cast %parallel_loop3A_655 : vector<1x1x16xf32> to vector<16xf32>
        %parallel_loop3A_657 = arith.constant 1.500000e+01 : f32
        %parallel_loop3A_658 = vector.broadcast %parallel_loop3A_657 : f32 to vector<16xf32>
        %parallel_loop3A_659 = arith.mulf %parallel_loop3A_656, %parallel_loop3A_658 : vector<16xf32>
        %parallel_loop3A_660 = arith.fptosi %parallel_loop3A_659 : vector<16xf32> to vector<16xi32>
        %parallel_loop3A_661 = vector.shape_cast %parallel_loop3A_660 : vector<16xi32> to vector<16x1xi32>
        %parallel_loop3A_662 = vector.shape_cast %parallel_loop3A_661 : vector<16x1xi32> to vector<16xi32>
        %parallel_loop3A_663 = tpu.dynamic_gather %sub3A_467[%parallel_loop3A_662] in [0] : vector<16xf32>, vector<16xi32> -> vector<16xf32>
        %parallel_loop3A_664 = vector.shape_cast %parallel_loop3A_660 : vector<16xi32> to vector<16x1xi32>
        %parallel_loop3A_665 = vector.shape_cast %parallel_loop3A_664 : vector<16x1xi32> to vector<16xi32>
        %parallel_loop3A_666 = tpu.dynamic_gather %sub3A_464[%parallel_loop3A_665] in [0] : vector<16xf32>, vector<16xi32> -> vector<16xf32>
        %parallel_loop3A_667 = arith.mulf %parallel_loop3A_659, %parallel_loop3A_666 : vector<16xf32>
        %parallel_loop3A_668 = arith.addf %parallel_loop3A_663, %parallel_loop3A_667 : vector<16xf32>
        %parallel_loop3A_669 = arith.constant 0 : i32
        %parallel_loop3A_670 = arith.index_cast %parallel_loop3A_669 : i32 to index
        %parallel_loop3A_671 = arith.index_cast %parallel_loop3A_632 : i32 to index
        %parallel_loop3A_672 = arith.index_cast %parallel_loop3A_650 : i32 to index
        %parallel_loop3A_673 = tpu.vector_load %arg7[%parallel_loop3A_670, %parallel_loop3A_671, %parallel_loop3A_672] {strides = array<i32>} : memref<2x32x512xf32, #tpu.memory_space<vmem>>, vector<1x1x16xf32>,
        %parallel_loop3A_674 = vector.shape_cast %parallel_loop3A_673 : vector<1x1x16xf32> to vector<16xf32>
        %parallel_loop3A_675 = vector.shape_cast %parallel_loop3A_668 : vector<16xf32> to vector<1x1x16xf32>
        tpu.vector_store %arg7[%parallel_loop3A_670, %parallel_loop3A_671, %parallel_loop3A_672], %parallel_loop3A_675 {strides = array<i32>} : memref<2x32x512xf32, #tpu.memory_space<vmem>>, vector<1x1x16xf32>,
      } {sc.loop_unroll_factor = 8 : i64, sc.parallel_access}
      %mul3A_536 = arith.constant 32 : i32
      %mul3A_537 = arith.muli %add3A_512, %mul3A_536 : i32
      %dma_start3A_538 = arith.constant 0 : i32
      %dma_start3A_539 = arith.constant 0 : i32
      %dma_start3A_540 = arith.constant 0 : i32
      %dma_start3A_541 = tpu.memref_slice %arg7[%dma_start3A_538, %dma_start3A_539, %dma_start3A_540] : memref<2x32x512xf32, #tpu.memory_space<vmem>> -> memref<1x32x512xf32, #tpu.memory_space<vmem>>
      %dma_start3A_542 = tpu.memref_squeeze %dma_start3A_541 : memref<1x32x512xf32, #tpu.memory_space<vmem>> -> memref<32x512xf32, #tpu.memory_space<vmem>>
      %dma_start3A_543 = arith.constant 0 : i32
      %dma_start3A_544 = tpu.memref_slice %arg4[%add3A_247, %mul3A_537, %dma_start3A_543] : memref<64x512x512xf32, #tpu.memory_space<hbm>> -> memref<1x32x512xf32, #tpu.memory_space<hbm>>
      %dma_start3A_545 = tpu.memref_squeeze %dma_start3A_544 : memref<1x32x512xf32, #tpu.memory_space<hbm>> -> memref<32x512xf32, #tpu.memory_space<hbm>>
      %dma_start3A_546 = arith.constant 0 : i32
      %dma_start3A_547 = tpu.memref_slice %arg4[%add3A_247, %mul3A_537, %dma_start3A_546] : memref<64x512x512xf32, #tpu.memory_space<hbm>> -> memref<1x32x512xf32, #tpu.memory_space<hbm>>
      %dma_start3A_548 = tpu.memref_squeeze %dma_start3A_547 : memref<1x32x512xf32, #tpu.memory_space<hbm>> -> memref<32x512xf32, #tpu.memory_space<hbm>>
      %dma_start3A_549 = arith.constant 0 : i32
      %dma_start3A_550 = arith.constant 0 : i32
      %dma_start3A_551 = tpu.memref_slice %arg7[%dma_start3A_538, %dma_start3A_549, %dma_start3A_550] : memref<2x32x512xf32, #tpu.memory_space<vmem>> -> memref<1x32x512xf32, #tpu.memory_space<vmem>>
      %dma_start3A_552 = tpu.memref_squeeze %dma_start3A_551 : memref<1x32x512xf32, #tpu.memory_space<vmem>> -> memref<32x512xf32, #tpu.memory_space<vmem>>
      tpu.enqueue_dma source(%dma_start3A_552 : memref<32x512xf32, #tpu.memory_space<vmem>>) target(%dma_start3A_548 : memref<32x512xf32, #tpu.memory_space<hbm>>) target_semaphore(%arg10 : memref<!tpu.dma_semaphore, #tpu.memory_space<semaphore_mem>>)
      %lt3A = arith.constant 14 : i32
      %lt3A_553 = arith.cmpi slt, %add3A_512, %lt3A : i32
      %convert_element_type3A_554 = arith.extui %lt3A_553 : i1 to i32
      %cond3A_555 = arith.constant 0 : i32
      %cond3A_556 = arith.cmpi ne, %convert_element_type3A_554, %cond3A_555 : i32
      scf.if %cond3A_556 {
        %add3A_608 = arith.constant 2 : i32
        %add3A_609 = arith.addi %add3A_512, %add3A_608 : i32
        %mul3A_610 = arith.constant 32 : i32
        %mul3A_611 = arith.muli %add3A_609, %mul3A_610 : i32
        %dma_start3A_612 = arith.constant 0 : i32
        %dma_start3A_613 = arith.constant 0 : i32
        %dma_start3A_614 = arith.constant 0 : i32
        %dma_start3A_615 = tpu.memref_slice %arg6[%dma_start3A_612, %dma_start3A_613, %dma_start3A_614] : memref<2x32x512xf32, #tpu.memory_space<vmem>> -> memref<1x32x512xf32, #tpu.memory_space<vmem>>
        %dma_start3A_616 = tpu.memref_squeeze %dma_start3A_615 : memref<1x32x512xf32, #tpu.memory_space<vmem>> -> memref<32x512xf32, #tpu.memory_space<vmem>>
        %dma_start3A_617 = arith.constant 0 : i32
        %dma_start3A_618 = tpu.memref_slice %arg2[%add3A_247, %mul3A_611, %dma_start3A_617] : memref<64x512x512xf32, #tpu.memory_space<hbm>> -> memref<1x32x512xf32, #tpu.memory_space<hbm>>
        %dma_start3A_619 = tpu.memref_squeeze %dma_start3A_618 : memref<1x32x512xf32, #tpu.memory_space<hbm>> -> memref<32x512xf32, #tpu.memory_space<hbm>>
        %dma_start3A_620 = arith.constant 0 : i32
        %dma_start3A_621 = arith.constant 0 : i32
        %dma_start3A_622 = tpu.memref_slice %arg6[%dma_start3A_612, %dma_start3A_620, %dma_start3A_621] : memref<2x32x512xf32, #tpu.memory_space<vmem>> -> memref<1x32x512xf32, #tpu.memory_space<vmem>>
        %dma_start3A_623 = tpu.memref_squeeze %dma_start3A_622 : memref<1x32x512xf32, #tpu.memory_space<vmem>> -> memref<32x512xf32, #tpu.memory_space<vmem>>
        %dma_start3A_624 = arith.constant 0 : i32
        %dma_start3A_625 = tpu.memref_slice %arg2[%add3A_247, %mul3A_611, %dma_start3A_624] : memref<64x512x512xf32, #tpu.memory_space<hbm>> -> memref<1x32x512xf32, #tpu.memory_space<hbm>>
        %dma_start3A_626 = tpu.memref_squeeze %dma_start3A_625 : memref<1x32x512xf32, #tpu.memory_space<hbm>> -> memref<32x512xf32, #tpu.memory_space<hbm>>
        tpu.enqueue_dma source(%dma_start3A_626 : memref<32x512xf32, #tpu.memory_space<hbm>>) target(%dma_start3A_623 : memref<32x512xf32, #tpu.memory_space<vmem>>) target_semaphore(%arg8 : memref<!tpu.dma_semaphore, #tpu.memory_space<semaphore_mem>>)
      } else {
      }
      %mul3A_557 = arith.constant 2 : i32
      %mul3A_558 = arith.muli %scan3A_508, %mul3A_557 : i32
      %add3A_559 = arith.constant 1 : i32
      %add3A_560 = arith.addi %mul3A_558, %add3A_559 : i32
      %mul3A_561 = arith.constant 32 : i32
      %mul3A_562 = arith.muli %add3A_560, %mul3A_561 : i32
      %dma_wait3A_563 = arith.constant 1 : i32
      %dma_wait3A_564 = arith.constant 0 : i32
      %dma_wait3A_565 = arith.constant 0 : i32
      %dma_wait3A_566 = tpu.memref_slice %arg6[%dma_wait3A_563, %dma_wait3A_564, %dma_wait3A_565] : memref<2x32x512xf32, #tpu.memory_space<vmem>> -> memref<1x32x512xf32, #tpu.memory_space<vmem>>
      %dma_wait3A_567 = tpu.memref_squeeze %dma_wait3A_566 : memref<1x32x512xf32, #tpu.memory_space<vmem>> -> memref<32x512xf32, #tpu.memory_space<vmem>>
      %dma_wait3A_568 = arith.constant 0 : i32
      %dma_wait3A_569 = tpu.memref_slice %arg2[%add3A_247, %mul3A_562, %dma_wait3A_568] : memref<64x512x512xf32, #tpu.memory_space<hbm>> -> memref<1x32x512xf32, #tpu.memory_space<hbm>>
      %dma_wait3A_570 = tpu.memref_squeeze %dma_wait3A_569 : memref<1x32x512xf32, #tpu.memory_space<hbm>> -> memref<32x512xf32, #tpu.memory_space<hbm>>
      %dma_wait3A_571 = arith.constant 0 : i32
      %dma_wait3A_572 = arith.constant 0 : i32
      %dma_wait3A_573 = tpu.memref_slice %arg6[%dma_wait3A_563, %dma_wait3A_571, %dma_wait3A_572] : memref<2x32x512xf32, #tpu.memory_space<vmem>> -> memref<1x32x512xf32, #tpu.memory_space<vmem>>
      %dma_wait3A_574 = tpu.memref_squeeze %dma_wait3A_573 : memref<1x32x512xf32, #tpu.memory_space<vmem>> -> memref<32x512xf32, #tpu.memory_space<vmem>>
      %dma_wait3A_575 = arith.constant 0 : i32
      %dma_wait3A_576 = tpu.memref_slice %arg2[%add3A_247, %mul3A_562, %dma_wait3A_575] : memref<64x512x512xf32, #tpu.memory_space<hbm>> -> memref<1x32x512xf32, #tpu.memory_space<hbm>>
      %dma_wait3A_577 = tpu.memref_squeeze %dma_wait3A_576 : memref<1x32x512xf32, #tpu.memory_space<hbm>> -> memref<32x512xf32, #tpu.memory_space<hbm>>
      tpu.wait_dma2 semaphore(%arg9 : memref<!tpu.dma_semaphore, #tpu.memory_space<semaphore_mem>>) src(%dma_wait3A_577 : memref<32x512xf32, #tpu.memory_space<hbm>>) dst(%dma_wait3A_574 : memref<32x512xf32, #tpu.memory_space<vmem>>)
      %ge3A_578 = arith.constant 2 : i32
      %ge3A_579 = arith.cmpi sge, %add3A_560, %ge3A_578 : i32
      %convert_element_type3A_580 = arith.extui %ge3A_579 : i1 to i32
      %cond3A_581 = arith.constant 0 : i32
      %cond3A_582 = arith.cmpi ne, %convert_element_type3A_580, %cond3A_581 : i32
      scf.if %cond3A_582 {
        %sub3A_608 = arith.constant 2 : i32
        %sub3A_609 = arith.subi %add3A_560, %sub3A_608 : i32
        %mul3A_610 = arith.constant 32 : i32
        %mul3A_611 = arith.muli %sub3A_609, %mul3A_610 : i32
        %dma_wait3A_612 = arith.constant 1 : i32
        %dma_wait3A_613 = arith.constant 0 : i32
        %dma_wait3A_614 = arith.constant 0 : i32
        %dma_wait3A_615 = tpu.memref_slice %arg7[%dma_wait3A_612, %dma_wait3A_613, %dma_wait3A_614] : memref<2x32x512xf32, #tpu.memory_space<vmem>> -> memref<1x32x512xf32, #tpu.memory_space<vmem>>
        %dma_wait3A_616 = tpu.memref_squeeze %dma_wait3A_615 : memref<1x32x512xf32, #tpu.memory_space<vmem>> -> memref<32x512xf32, #tpu.memory_space<vmem>>
        %dma_wait3A_617 = arith.constant 0 : i32
        %dma_wait3A_618 = tpu.memref_slice %arg4[%add3A_247, %mul3A_611, %dma_wait3A_617] : memref<64x512x512xf32, #tpu.memory_space<hbm>> -> memref<1x32x512xf32, #tpu.memory_space<hbm>>
        %dma_wait3A_619 = tpu.memref_squeeze %dma_wait3A_618 : memref<1x32x512xf32, #tpu.memory_space<hbm>> -> memref<32x512xf32, #tpu.memory_space<hbm>>
        %dma_wait3A_620 = arith.constant 0 : i32
        %dma_wait3A_621 = tpu.memref_slice %arg4[%add3A_247, %mul3A_611, %dma_wait3A_620] : memref<64x512x512xf32, #tpu.memory_space<hbm>> -> memref<1x32x512xf32, #tpu.memory_space<hbm>>
        %dma_wait3A_622 = tpu.memref_squeeze %dma_wait3A_621 : memref<1x32x512xf32, #tpu.memory_space<hbm>> -> memref<32x512xf32, #tpu.memory_space<hbm>>
        %dma_wait3A_623 = arith.constant 0 : i32
        %dma_wait3A_624 = arith.constant 0 : i32
        %dma_wait3A_625 = tpu.memref_slice %arg7[%dma_wait3A_612, %dma_wait3A_623, %dma_wait3A_624] : memref<2x32x512xf32, #tpu.memory_space<vmem>> -> memref<1x32x512xf32, #tpu.memory_space<vmem>>
        %dma_wait3A_626 = tpu.memref_squeeze %dma_wait3A_625 : memref<1x32x512xf32, #tpu.memory_space<vmem>> -> memref<32x512xf32, #tpu.memory_space<vmem>>
        tpu.wait_dma2 semaphore(%arg11 : memref<!tpu.dma_semaphore, #tpu.memory_space<semaphore_mem>>) src(%dma_wait3A_626 : memref<32x512xf32, #tpu.memory_space<vmem>>) dst(%dma_wait3A_622 : memref<32x512xf32, #tpu.memory_space<hbm>>)
      } else {
      }
      %parallel_loop3A_583 = arith.constant 0 : i32
      %parallel_loop3A_584 = arith.constant 1024 : i32
      %parallel_loop3A_585 = arith.constant 1 : i32
      scf.for %parallel_loop3A_608 = %parallel_loop3A_583 to %parallel_loop3A_584 step %parallel_loop3A_585  : i32 {
        %parallel_loop3A_609 = arith.constant 32 : i32
        %parallel_loop3A_610 = arith.divsi %parallel_loop3A_608, %parallel_loop3A_609 : i32
        %parallel_loop3A_611 = arith.constant 0 : i32
        %parallel_loop3A_612 = arith.cmpi sgt, %parallel_loop3A_608, %parallel_loop3A_611 : i32
        %parallel_loop3A_613 = arith.extui %parallel_loop3A_612 : i1 to i32
        %parallel_loop3A_614 = arith.constant 0 : i32
        %parallel_loop3A_615 = arith.cmpi slt, %parallel_loop3A_608, %parallel_loop3A_614 : i32
        %parallel_loop3A_616 = arith.extui %parallel_loop3A_615 : i1 to i32
        %parallel_loop3A_617 = arith.subi %parallel_loop3A_613, %parallel_loop3A_616 : i32
        %parallel_loop3A_618 = arith.constant 0 : i32
        %parallel_loop3A_619 = arith.cmpi sgt, %parallel_loop3A_609, %parallel_loop3A_618 : i32
        %parallel_loop3A_620 = arith.extui %parallel_loop3A_619 : i1 to i32
        %parallel_loop3A_621 = arith.constant 0 : i32
        %parallel_loop3A_622 = arith.cmpi slt, %parallel_loop3A_609, %parallel_loop3A_621 : i32
        %parallel_loop3A_623 = arith.extui %parallel_loop3A_622 : i1 to i32
        %parallel_loop3A_624 = arith.subi %parallel_loop3A_620, %parallel_loop3A_623 : i32
        %parallel_loop3A_625 = arith.cmpi ne, %parallel_loop3A_617, %parallel_loop3A_624 : i32
        %parallel_loop3A_626 = arith.remsi %parallel_loop3A_608, %parallel_loop3A_609 : i32
        %parallel_loop3A_627 = arith.constant 0 : i32
        %parallel_loop3A_628 = arith.cmpi ne, %parallel_loop3A_626, %parallel_loop3A_627 : i32
        %parallel_loop3A_629 = arith.andi %parallel_loop3A_625, %parallel_loop3A_628 : i1
        %parallel_loop3A_630 = arith.constant 1 : i32
        %parallel_loop3A_631 = arith.subi %parallel_loop3A_610, %parallel_loop3A_630 : i32
        %parallel_loop3A_632 = arith.select %parallel_loop3A_629, %parallel_loop3A_631, %parallel_loop3A_610 : i32
        %parallel_loop3A_633 = arith.constant 32 : i32
        %parallel_loop3A_634 = arith.constant 0 : i32
        %parallel_loop3A_635 = arith.cmpi eq, %parallel_loop3A_633, %parallel_loop3A_634 : i32
        %parallel_loop3A_636 = arith.constant 1 : i32
        %parallel_loop3A_637 = arith.select %parallel_loop3A_635, %parallel_loop3A_636, %parallel_loop3A_633 : i32
        %parallel_loop3A_638 = arith.remsi %parallel_loop3A_608, %parallel_loop3A_637 : i32
        %parallel_loop3A_639 = arith.constant 0 : i32
        %parallel_loop3A_640 = arith.cmpi ne, %parallel_loop3A_638, %parallel_loop3A_639 : i32
        %parallel_loop3A_641 = arith.constant 0 : i32
        %parallel_loop3A_642 = arith.cmpi slt, %parallel_loop3A_638, %parallel_loop3A_641 : i32
        %parallel_loop3A_643 = arith.constant 0 : i32
        %parallel_loop3A_644 = arith.cmpi slt, %parallel_loop3A_637, %parallel_loop3A_643 : i32
        %parallel_loop3A_645 = arith.xori %parallel_loop3A_642, %parallel_loop3A_644 : i1
        %parallel_loop3A_646 = arith.andi %parallel_loop3A_645, %parallel_loop3A_640 : i1
        %parallel_loop3A_647 = arith.addi %parallel_loop3A_638, %parallel_loop3A_637 : i32
        %parallel_loop3A_648 = arith.select %parallel_loop3A_646, %parallel_loop3A_647, %parallel_loop3A_638 : i32
        %parallel_loop3A_649 = arith.constant 16 : i32
        %parallel_loop3A_650 = arith.muli %parallel_loop3A_648, %parallel_loop3A_649 : i32
        %parallel_loop3A_651 = arith.constant 1 : i32
        %parallel_loop3A_652 = arith.index_cast %parallel_loop3A_651 : i32 to index
        %parallel_loop3A_653 = arith.index_cast %parallel_loop3A_632 : i32 to index
        %parallel_loop3A_654 = arith.index_cast %parallel_loop3A_650 : i32 to index
        %parallel_loop3A_655 = tpu.vector_load %arg6[%parallel_loop3A_652, %parallel_loop3A_653, %parallel_loop3A_654] {strides = array<i32>} : memref<2x32x512xf32, #tpu.memory_space<vmem>>, vector<1x1x16xf32>,
        %parallel_loop3A_656 = vector.shape_cast %parallel_loop3A_655 : vector<1x1x16xf32> to vector<16xf32>
        %parallel_loop3A_657 = arith.constant 1.500000e+01 : f32
        %parallel_loop3A_658 = vector.broadcast %parallel_loop3A_657 : f32 to vector<16xf32>
        %parallel_loop3A_659 = arith.mulf %parallel_loop3A_656, %parallel_loop3A_658 : vector<16xf32>
        %parallel_loop3A_660 = arith.fptosi %parallel_loop3A_659 : vector<16xf32> to vector<16xi32>
        %parallel_loop3A_661 = vector.shape_cast %parallel_loop3A_660 : vector<16xi32> to vector<16x1xi32>
        %parallel_loop3A_662 = vector.shape_cast %parallel_loop3A_661 : vector<16x1xi32> to vector<16xi32>
        %parallel_loop3A_663 = tpu.dynamic_gather %sub3A_467[%parallel_loop3A_662] in [0] : vector<16xf32>, vector<16xi32> -> vector<16xf32>
        %parallel_loop3A_664 = vector.shape_cast %parallel_loop3A_660 : vector<16xi32> to vector<16x1xi32>
        %parallel_loop3A_665 = vector.shape_cast %parallel_loop3A_664 : vector<16x1xi32> to vector<16xi32>
        %parallel_loop3A_666 = tpu.dynamic_gather %sub3A_464[%parallel_loop3A_665] in [0] : vector<16xf32>, vector<16xi32> -> vector<16xf32>
        %parallel_loop3A_667 = arith.mulf %parallel_loop3A_659, %parallel_loop3A_666 : vector<16xf32>
        %parallel_loop3A_668 = arith.addf %parallel_loop3A_663, %parallel_loop3A_667 : vector<16xf32>
        %parallel_loop3A_669 = arith.constant 1 : i32
        %parallel_loop3A_670 = arith.index_cast %parallel_loop3A_669 : i32 to index
        %parallel_loop3A_671 = arith.index_cast %parallel_loop3A_632 : i32 to index
        %parallel_loop3A_672 = arith.index_cast %parallel_loop3A_650 : i32 to index
        %parallel_loop3A_673 = tpu.vector_load %arg7[%parallel_loop3A_670, %parallel_loop3A_671, %parallel_loop3A_672] {strides = array<i32>} : memref<2x32x512xf32, #tpu.memory_space<vmem>>, vector<1x1x16xf32>,
        %parallel_loop3A_674 = vector.shape_cast %parallel_loop3A_673 : vector<1x1x16xf32> to vector<16xf32>
        %parallel_loop3A_675 = vector.shape_cast %parallel_loop3A_668 : vector<16xf32> to vector<1x1x16xf32>
        tpu.vector_store %arg7[%parallel_loop3A_670, %parallel_loop3A_671, %parallel_loop3A_672], %parallel_loop3A_675 {strides = array<i32>} : memref<2x32x512xf32, #tpu.memory_space<vmem>>, vector<1x1x16xf32>,
      } {sc.loop_unroll_factor = 8 : i64, sc.parallel_access}
      %mul3A_586 = arith.constant 32 : i32
      %mul3A_587 = arith.muli %add3A_560, %mul3A_586 : i32
      %dma_start3A_588 = arith.constant 1 : i32
      %dma_start3A_589 = arith.constant 0 : i32
      %dma_start3A_590 = arith.constant 0 : i32
      %dma_start3A_591 = tpu.memref_slice %arg7[%dma_start3A_588, %dma_start3A_589, %dma_start3A_590] : memref<2x32x512xf32, #tpu.memory_space<vmem>> -> memref<1x32x512xf32, #tpu.memory_space<vmem>>
      %dma_start3A_592 = tpu.memref_squeeze %dma_start3A_591 : memref<1x32x512xf32, #tpu.memory_space<vmem>> -> memref<32x512xf32, #tpu.memory_space<vmem>>
      %dma_start3A_593 = arith.constant 0 : i32
      %dma_start3A_594 = tpu.memref_slice %arg4[%add3A_247, %mul3A_587, %dma_start3A_593] : memref<64x512x512xf32, #tpu.memory_space<hbm>> -> memref<1x32x512xf32, #tpu.memory_space<hbm>>
      %dma_start3A_595 = tpu.memref_squeeze %dma_start3A_594 : memref<1x32x512xf32, #tpu.memory_space<hbm>> -> memref<32x512xf32, #tpu.memory_space<hbm>>
      %dma_start3A_596 = arith.constant 0 : i32
      %dma_start3A_597 = tpu.memref_slice %arg4[%add3A_247, %mul3A_587, %dma_start3A_596] : memref<64x512x512xf32, #tpu.memory_space<hbm>> -> memref<1x32x512xf32, #tpu.memory_space<hbm>>
      %dma_start3A_598 = tpu.memref_squeeze %dma_start3A_597 : memref<1x32x512xf32, #tpu.memory_space<hbm>> -> memref<32x512xf32, #tpu.memory_space<hbm>>
      %dma_start3A_599 = arith.constant 0 : i32
      %dma_start3A_600 = arith.constant 0 : i32
      %dma_start3A_601 = tpu.memref_slice %arg7[%dma_start3A_588, %dma_start3A_599, %dma_start3A_600] : memref<2x32x512xf32, #tpu.memory_space<vmem>> -> memref<1x32x512xf32, #tpu.memory_space<vmem>>
      %dma_start3A_602 = tpu.memref_squeeze %dma_start3A_601 : memref<1x32x512xf32, #tpu.memory_space<vmem>> -> memref<32x512xf32, #tpu.memory_space<vmem>>
      tpu.enqueue_dma source(%dma_start3A_602 : memref<32x512xf32, #tpu.memory_space<vmem>>) target(%dma_start3A_598 : memref<32x512xf32, #tpu.memory_space<hbm>>) target_semaphore(%arg11 : memref<!tpu.dma_semaphore, #tpu.memory_space<semaphore_mem>>)
      %lt3A_603 = arith.constant 14 : i32
      %lt3A_604 = arith.cmpi slt, %add3A_560, %lt3A_603 : i32
      %convert_element_type3A_605 = arith.extui %lt3A_604 : i1 to i32
      %cond3A_606 = arith.constant 0 : i32
      %cond3A_607 = arith.cmpi ne, %convert_element_type3A_605, %cond3A_606 : i32
      scf.if %cond3A_607 {
        %add3A_608 = arith.constant 2 : i32
        %add3A_609 = arith.addi %add3A_560, %add3A_608 : i32
        %mul3A_610 = arith.constant 32 : i32
        %mul3A_611 = arith.muli %add3A_609, %mul3A_610 : i32
        %dma_start3A_612 = arith.constant 1 : i32
        %dma_start3A_613 = arith.constant 0 : i32
        %dma_start3A_614 = arith.constant 0 : i32
        %dma_start3A_615 = tpu.memref_slice %arg6[%dma_start3A_612, %dma_start3A_613, %dma_start3A_614] : memref<2x32x512xf32, #tpu.memory_space<vmem>> -> memref<1x32x512xf32, #tpu.memory_space<vmem>>
        %dma_start3A_616 = tpu.memref_squeeze %dma_start3A_615 : memref<1x32x512xf32, #tpu.memory_space<vmem>> -> memref<32x512xf32, #tpu.memory_space<vmem>>
        %dma_start3A_617 = arith.constant 0 : i32
        %dma_start3A_618 = tpu.memref_slice %arg2[%add3A_247, %mul3A_611, %dma_start3A_617] : memref<64x512x512xf32, #tpu.memory_space<hbm>> -> memref<1x32x512xf32, #tpu.memory_space<hbm>>
        %dma_start3A_619 = tpu.memref_squeeze %dma_start3A_618 : memref<1x32x512xf32, #tpu.memory_space<hbm>> -> memref<32x512xf32, #tpu.memory_space<hbm>>
        %dma_start3A_620 = arith.constant 0 : i32
        %dma_start3A_621 = arith.constant 0 : i32
        %dma_start3A_622 = tpu.memref_slice %arg6[%dma_start3A_612, %dma_start3A_620, %dma_start3A_621] : memref<2x32x512xf32, #tpu.memory_space<vmem>> -> memref<1x32x512xf32, #tpu.memory_space<vmem>>
        %dma_start3A_623 = tpu.memref_squeeze %dma_start3A_622 : memref<1x32x512xf32, #tpu.memory_space<vmem>> -> memref<32x512xf32, #tpu.memory_space<vmem>>
        %dma_start3A_624 = arith.constant 0 : i32
        %dma_start3A_625 = tpu.memref_slice %arg2[%add3A_247, %mul3A_611, %dma_start3A_624] : memref<64x512x512xf32, #tpu.memory_space<hbm>> -> memref<1x32x512xf32, #tpu.memory_space<hbm>>
        %dma_start3A_626 = tpu.memref_squeeze %dma_start3A_625 : memref<1x32x512xf32, #tpu.memory_space<hbm>> -> memref<32x512xf32, #tpu.memory_space<hbm>>
        tpu.enqueue_dma source(%dma_start3A_626 : memref<32x512xf32, #tpu.memory_space<hbm>>) target(%dma_start3A_623 : memref<32x512xf32, #tpu.memory_space<vmem>>) target_semaphore(%arg9 : memref<!tpu.dma_semaphore, #tpu.memory_space<semaphore_mem>>)
      } else {
      }
    }
    %scan3A_473 = arith.constant 8 : i32
    %dma_wait3A_474 = arith.constant 0 : i32
    %dma_wait3A_475 = arith.constant 0 : i32
    %dma_wait3A_476 = arith.constant 0 : i32
    %dma_wait3A_477 = tpu.memref_slice %arg7[%dma_wait3A_474, %dma_wait3A_475, %dma_wait3A_476] : memref<2x32x512xf32, #tpu.memory_space<vmem>> -> memref<1x32x512xf32, #tpu.memory_space<vmem>>
    %dma_wait3A_478 = tpu.memref_squeeze %dma_wait3A_477 : memref<1x32x512xf32, #tpu.memory_space<vmem>> -> memref<32x512xf32, #tpu.memory_space<vmem>>
    %dma_wait3A_479 = arith.constant 448 : i32
    %dma_wait3A_480 = arith.constant 0 : i32
    %dma_wait3A_481 = tpu.memref_slice %arg4[%add3A_247, %dma_wait3A_479, %dma_wait3A_480] : memref<64x512x512xf32, #tpu.memory_space<hbm>> -> memref<1x32x512xf32, #tpu.memory_space<hbm>>
    %dma_wait3A_482 = tpu.memref_squeeze %dma_wait3A_481 : memref<1x32x512xf32, #tpu.memory_space<hbm>> -> memref<32x512xf32, #tpu.memory_space<hbm>>
    %dma_wait3A_483 = arith.constant 448 : i32
    %dma_wait3A_484 = arith.constant 0 : i32
    %dma_wait3A_485 = tpu.memref_slice %arg4[%add3A_247, %dma_wait3A_483, %dma_wait3A_484] : memref<64x512x512xf32, #tpu.memory_space<hbm>> -> memref<1x32x512xf32, #tpu.memory_space<hbm>>
    %dma_wait3A_486 = tpu.memref_squeeze %dma_wait3A_485 : memref<1x32x512xf32, #tpu.memory_space<hbm>> -> memref<32x512xf32, #tpu.memory_space<hbm>>
    %dma_wait3A_487 = arith.constant 0 : i32
    %dma_wait3A_488 = arith.constant 0 : i32
    %dma_wait3A_489 = tpu.memref_slice %arg7[%dma_wait3A_474, %dma_wait3A_487, %dma_wait3A_488] : memref<2x32x512xf32, #tpu.memory_space<vmem>> -> memref<1x32x512xf32, #tpu.memory_space<vmem>>
    %dma_wait3A_490 = tpu.memref_squeeze %dma_wait3A_489 : memref<1x32x512xf32, #tpu.memory_space<vmem>> -> memref<32x512xf32, #tpu.memory_space<vmem>>
    tpu.wait_dma2 semaphore(%arg10 : memref<!tpu.dma_semaphore, #tpu.memory_space<semaphore_mem>>) src(%dma_wait3A_490 : memref<32x512xf32, #tpu.memory_space<vmem>>) dst(%dma_wait3A_486 : memref<32x512xf32, #tpu.memory_space<hbm>>)
    %dma_wait3A_491 = arith.constant 1 : i32
    %dma_wait3A_492 = arith.constant 0 : i32
    %dma_wait3A_493 = arith.constant 0 : i32
    %dma_wait3A_494 = tpu.memref_slice %arg7[%dma_wait3A_491, %dma_wait3A_492, %dma_wait3A_493] : memref<2x32x512xf32, #tpu.memory_space<vmem>> -> memref<1x32x512xf32, #tpu.memory_space<vmem>>
    %dma_wait3A_495 = tpu.memref_squeeze %dma_wait3A_494 : memref<1x32x512xf32, #tpu.memory_space<vmem>> -> memref<32x512xf32, #tpu.memory_space<vmem>>
    %dma_wait3A_496 = arith.constant 480 : i32
    %dma_wait3A_497 = arith.constant 0 : i32
    %dma_wait3A_498 = tpu.memref_slice %arg4[%add3A_247, %dma_wait3A_496, %dma_wait3A_497] : memref<64x512x512xf32, #tpu.memory_space<hbm>> -> memref<1x32x512xf32, #tpu.memory_space<hbm>>
    %dma_wait3A_499 = tpu.memref_squeeze %dma_wait3A_498 : memref<1x32x512xf32, #tpu.memory_space<hbm>> -> memref<32x512xf32, #tpu.memory_space<hbm>>
    %dma_wait3A_500 = arith.constant 480 : i32
    %dma_wait3A_501 = arith.constant 0 : i32
    %dma_wait3A_502 = tpu.memref_slice %arg4[%add3A_247, %dma_wait3A_500, %dma_wait3A_501] : memref<64x512x512xf32, #tpu.memory_space<hbm>> -> memref<1x32x512xf32, #tpu.memory_space<hbm>>
    %dma_wait3A_503 = tpu.memref_squeeze %dma_wait3A_502 : memref<1x32x512xf32, #tpu.memory_space<hbm>> -> memref<32x512xf32, #tpu.memory_space<hbm>>
    %dma_wait3A_504 = arith.constant 0 : i32
    %dma_wait3A_505 = arith.constant 0 : i32
    %dma_wait3A_506 = tpu.memref_slice %arg7[%dma_wait3A_491, %dma_wait3A_504, %dma_wait3A_505] : memref<2x32x512xf32, #tpu.memory_space<vmem>> -> memref<1x32x512xf32, #tpu.memory_space<vmem>>
    %dma_wait3A_507 = tpu.memref_squeeze %dma_wait3A_506 : memref<1x32x512xf32, #tpu.memory_space<vmem>> -> memref<32x512xf32, #tpu.memory_space<vmem>>
    tpu.wait_dma2 semaphore(%arg11 : memref<!tpu.dma_semaphore, #tpu.memory_space<semaphore_mem>>) src(%dma_wait3A_507 : memref<32x512xf32, #tpu.memory_space<vmem>>) dst(%dma_wait3A_503 : memref<32x512xf32, #tpu.memory_space<hbm>>)
    return
  }
}

</mosaic_0001>

<sc_bundles>
// kernel: kernel.3.cloned.1.call-start
scs
__scs_entry_jumppad:
0x0: {  	(pc) =	sbr.rel $0x88, $3  }
0x1: {  	(tag) =	ssettag $0x0;
	lr =	simm.s32 $0x1  }
0x2: {  	[smem:$0x3F9F] =	sst lr;
	_ =	strace $0xD0000000  }
0x3: {  	_ = 	snop  }
0x4: {  	_ = 	snop  }
0x5: {  	_ = 	snop  }
0x6: {  	_ = 	snop  }
0x7: {  	_ = 	snop  }
__scs_overlays_trampoline_lowered:
0x8: {  	[smem:$0x3FAE] =	sst s0  }
0x9: {  	[smem:$0x3FAF] =	sst s1  }
0xa: {  	[smem:$0x3FB0] =	sst s2  }
0xb: {  	[smem:$0x3FB1] =	sst s3  }
0xc: {  	[smem:$0x3FB2] =	sst s4  }
0xd: {  	[smem:$0x3FB3] =	sst s5  }
0xe: {  	[smem:$0x3FB4] =	sst s6  }
0xf: {  	[smem:$0x3FB5] =	sst s7  }
0x10: {  	[smem:$0x3FB6] =	sst s8  }
0x11: {  	[smem:$0x3FB7] =	sst s9;
	s0 =	simm.s32 @!p0 $0x0  }
0x12: {  	s1 =	sld [smem:$0x3F9D];
	s0 =	simm.s32 @p0 $0x1  }
0x13: {  	[smem:$0x3FB8] =	sst s0;
	s0 =	simm.s32 @!p1 $0x0  }
0x14: {  	s2 =	sld [smem:$0x3F9C];
	s0 =	simm.s32 @p1 $0x1  }
0x15: {  	[smem:$0x3FB9] =	sst s0;
	s0 =	simm.s32 @!p2 $0x0  }
0x16: {  	s3 =	sld [smem:$0x3FDB];
	s0 =	simm.s32 @p2 $0x1  }
0x17: {  	s4 =	simm.s32 $0x1BF5;
	[smem:$0x3FBB] =	sst s0  }
0x18: {  	s0 =	sld [smem:$0x3F9E];
	_ =	swait.ge [sflag:s4], $0x0  }
0x19: {  	s7 =	sld [smem:$0x3F9F]  }
0x1a: {  	s8 =	sadd.s32 $0xFFFFE003, lr  }
0x1b: {  	s9 =	sadd.s32 $0xFFFFFEF7, lr;
	s5 =	simm.s32 $0xFFFFFFFF;
	p2 =	slt.u32 s8, $0xFFFFF086  }
0x1c: {  	p1 =	slt.u32 s9, $0xF7A;
	s5 =	simm.s32 @!p2 $0x0  }
0x1d: {  	s5 =	simm.s32 @p1 $0x1;
	p0 =	seq.s32 s7, s2  }
0x1e: {  	s7 =	smul.u32 @!p0 $0xF7A, s2;
	p2 =	seq.s32 @!p0 s5, $0x0  }
0x1f: {  	s9 =	smul.u32 $0xF7A, s1;
	s8 =	simm.s32 @!p0 $0x1BF5;
	p2 =	por !p2, p0  }
0x20: {  	[sflag:s8] =	ssyncset.s32 @!p0 $0xFFFFF086;
	s6 =	sadd.s32 @!p0 s3, s7;
	s7 =	simm.s32 @!p0 $0x108  }
0x21: {  	s3 =	sadd.s32 s3, s9;
	s6 =	sadd.s32 @!p0 $0x88, s6;
	s7 =	simm.s32 @p2 $0x1082  }
0x22: {  	[simem:s7], [sflag:s8] =	dma.local @!p0 [hbm:s6], $0xF7A  }
0x23: {  	s9 =	sor.u32 $0xD0000000, s2;
	s6 =	simm.s32 $0x108;
	_ =	swait.ge @!p0 [sflag:s8], $0x0  }
0x24: {  	s3 =	sadd.s32 $0x88, s3;
	s6 =	simm.s32 @!p1 $0x1082;
	[sflag:s4] =	ssyncset.s32 $0xFFFFF086  }
0x25: {  	[simem:s6], [sflag:s4] =	dma.local [hbm:s3], $0xF7A  }
0x26: {  	[smem:$0x3F9F] =	sst s1;
	(tag) =	ssettag s2;
	_ =	strace s9  }
0x27: {  	s1 =	sld [smem:$0x3FAF]  }
0x28: {  	s2 =	sld [smem:$0x3FB0]  }
0x29: {  	s4 =	sld [smem:$0x3FB2]  }
0x2a: {  	p0 =	seq.s32 s5, $0x0;
	s5 =	sld [smem:$0x3FB3]  }
0x2b: {  	s6 =	sld [smem:$0x3FB4]  }
0x2c: {  	s7 =	sld [smem:$0x3FB5]  }
0x2d: {  	s3 =	simm.s32 $0x108;
	s8 =	sld [smem:$0x3FB6]  }
0x2e: {  	s3 =	simm.s32 @!p0 $0x1082;
	s9 =	sld [smem:$0x3FB7]  }
0x2f: {  	lr =	sadd.s32 s0, s3;
	s0 =	sld [smem:$0x3FAE]  }
0x30: {  	s3 =	sld [smem:$0x3FB1]  }
0x31: {  	[smem:$0x3FBA] =	sst s10  }
0x32: {  	s10 =	sld [smem:$0x3FB8];
	_ =	sdelay $0x3  }
0x33: {  	p0 =	seq.s32 s10, $0x1;
	s10 =	sld [smem:$0x3FBA];
	_ =	sdelay $0x3  }
0x34: {  	[smem:$0x3FBA] =	sst s10  }
0x35: {  	s10 =	sld [smem:$0x3FB9];
	_ =	sdelay $0x3  }
0x36: {  	p1 =	seq.s32 s10, $0x1;
	s10 =	sld [smem:$0x3FBA];
	_ =	sdelay $0x3  }
0x37: {  	[smem:$0x3FBA] =	sst s10  }
0x38: {  	s10 =	sld [smem:$0x3FBB]  }
0x39: {  	_ = 	snop;
	(pc) =	sbr.ind lr, $3  }
0x3a: {  	_ = 	snop  }
0x3b: {  	_ = 	snop  }
0x3c: {  	p2 =	seq.s32 s10, $0x1;
	s10 =	sld [smem:$0x3FBA]  }
0x3d: {  	_ =	shalt  }
0x3e: {  	_ =	shalt  }
0x3f: {  	_ =	shalt  }
0x40: {  	_ =	shalt  }
0x41: {  	_ =	shalt  }
0x42: {  	_ =	shalt  }
0x43: {  	_ =	shalt  }
0x44: {  	_ =	shalt  }
0x45: {  	_ =	shalt  }
0x46: {  	_ =	shalt  }
0x47: {  	_ =	shalt  }
0x48: {  	_ =	shalt  }
0x49: {  	_ =	shalt  }
0x4a: {  	_ =	shalt  }
0x4b: {  	_ =	shalt  }
0x4c: {  	_ =	shalt  }
0x4d: {  	_ =	shalt  }
0x4e: {  	_ =	shalt  }
0x4f: {  	_ =	shalt  }
0x50: {  	_ =	shalt  }
0x51: {  	_ =	shalt  }
0x52: {  	_ =	shalt  }
0x53: {  	_ =	shalt  }
0x54: {  	_ =	shalt  }
0x55: {  	_ =	shalt  }
0x56: {  	_ =	shalt  }
0x57: {  	_ =	shalt  }
0x58: {  	_ =	shalt  }
0x59: {  	_ =	shalt  }
0x5a: {  	_ =	shalt  }
0x5b: {  	_ =	shalt  }
0x5c: {  	_ =	shalt  }
0x5d: {  	_ =	shalt  }
0x5e: {  	_ =	shalt  }
0x5f: {  	_ =	shalt  }
0x60: {  	_ =	shalt  }
0x61: {  	_ =	shalt  }
0x62: {  	_ =	shalt  }
0x63: {  	_ =	shalt  }
0x64: {  	_ =	shalt  }
0x65: {  	_ =	shalt  }
0x66: {  	_ =	shalt  }
0x67: {  	_ =	shalt  }
0x68: {  	_ =	shalt  }
0x69: {  	_ =	shalt  }
0x6a: {  	_ =	shalt  }
0x6b: {  	_ =	shalt  }
0x6c: {  	_ =	shalt  }
0x6d: {  	_ =	shalt  }
0x6e: {  	_ =	shalt  }
0x6f: {  	_ =	shalt  }
0x70: {  	_ =	shalt  }
0x71: {  	_ =	shalt  }
0x72: {  	_ =	shalt  }
0x73: {  	_ =	shalt  }
0x74: {  	_ =	shalt  }
0x75: {  	_ =	shalt  }
0x76: {  	_ =	shalt  }
0x77: {  	_ =	shalt  }
0x78: {  	_ =	shalt  }
0x79: {  	_ =	shalt  }
0x7a: {  	_ =	shalt  }
0x7b: {  	_ =	shalt  }
0x7c: {  	_ =	shalt  }
0x7d: {  	_ =	shalt  }
0x7e: {  	_ =	shalt  }
0x7f: {  	_ =	shalt  }
0x80: {  	_ =	shalt  }
0x81: {  	_ =	shalt  }
0x82: {  	_ =	shalt  }
0x83: {  	_ =	shalt  }
0x84: {  	_ =	shalt  }
0x85: {  	_ =	shalt  }
0x86: {  	_ =	shalt  }
0x87: {  	_ =	shalt  }
.Lfunc_end0:
.L_simem_size_0:
called_computation_lowered:
.L_overlay_start_0:
0x88: {  	s2 =	sld [smem:$0x3FD9]  }
0x89: {  	s3 =	sld [smem:$0x3FFE];
	_ =	sdelay $0x1  }
0x8a: {  	s1 =	srdreg.scid  }
0x8b: {  	s0 =	sand.u32 $0x1, s1  }
0x8c: {  	s17 =	sshll.u32 s0, $0xA;
	s2 =	sadd.s32 s3, s2  }
0x8d: {  	s2 =	sadd.s32 s2, s17  }
0x8e: {  	[smem:$0x3FC6] =	sst s2  }
0x8f: {  	_ = 	snop  }
0x90: {  	s2 =	sld [smem:$0x3FC9]  }
0x91: {  	s18 =	sld [smem:$0x3FD0];
	(tm) =	ssettm $0x1  }
0x92: {  	s4 =	sld [smem:$0x3FFB];
	_ =	sdelay $0x3  }
0x93: {  	_ =	strace s4  }
0x94: {  	s4 =	sld [smem:$0x3FFC];
	_ =	sdelay $0x3  }
0x95: {  	_ =	strace s4  }
0x96: {  	s4 =	sld [smem:$0x3FFD];
	_ =	sdelay $0x3  }
0x97: {  	_ =	strace s4  }
0x98: {  	_ =	strace $0x8FFFFFFF  }
0x99: {  	s19 =	sld [smem:$0x3FDB];
	_ =	sdelay $0x1  }
0x9a: {  	s5 =	simm.s32 $_scs_section_size  }
0x9b: {  	s6 =	simm.s32 $_size__tile_overlayer_lowered;
	s7 =	simm.s32 $_tile_overlayer_lowered  }
0x9c: {  	s22 =	simm.s32 $0x1BFF;
	s21 =	sshll.u32 s7, $0x1;
	s4 =	sadd.s32 s5, s19  }
0x9d: {  	s8 =	simm.s32 $0x0;
	s20 =	sshll.u32 s6, $0x1;
	s6 =	sadd.s32 s21, s4  }
0x9e: {  	[timem:s8], [sflag:s22] =	dma.local [hbm:s6], s20  }
0x9f: {  	_ =	swait.ge [sflag:s22], s20  }
0xa0: {  	s5 =	ssub.s32 $0x0, s20;
	[sflag:s22] =	ssyncset.done $0x0  }
0xa1: {  	[sflag:s22] =	ssyncadd.s32 s5;
	_ =	sdelay $0x1  }
0xa2: {  	s23 =	simm.s32 $0x1B8B  }
0xa3: {  	_ =	swait.ge [sflag:s23], $0x1  }
0xa4: {  	[sflag:s23] =	ssyncset.done $0x0  }
0xa5: {  	s25 =	simm.s32 $0x1B8E;
	s24 =	sld [smem:$0x3FFE];
	[sflag:s23] =	ssyncadd.s32 $0xFFFFFFFF  }
0xa6: {  	s26 =	simm.s32 $execute0_lowered;
	[smem:$0x3FD2] =	sst s25  }
0xa7: {  	s6 =	sshll.u32 s26, $0x1;
	_ =	strace $0x80000046;
	[dreg:$0x1] =	wrdreg $0xFFFFFFFF  }
0xa8: {  	s28 =	simm.s32 $_size_execute0_lowered;
	s4 =	sadd.s32 s4, s6;
	[dreg:$0x0] =	wrdreg $0x0  }
0xa9: {  	s6 =	sshll.u32 s28, $0x1;
	[dreg:$0x2] =	wrdreg s4  }
0xaa: {  	[dreg:$0x3] =	wrdreg s6  }
0xab: {  	[dreg:$0x4] =	wrdreg $0xC0  }
0xac: {  	_ =	task [dreg:s8], $0x5FFFF  }
0xad: {  	[dreg:$0x1] =	wrdreg $0xFFFFFFFF  }
0xae: {  	[dreg:$0x0] =	wrdreg $0x60  }
0xaf: {  	[dreg:$0x2] =	wrdreg s2  }
0xb0: {  	[dreg:$0x3] =	wrdreg s24  }
0xb1: {  	[dreg:$0x4] =	wrdreg s18  }
0xb2: {  	[dreg:$0x5] =	wrdreg $0x9  }
0xb3: {  	_ =	task.clear_ibuf [dreg:s8], $0x6FFFF;
	_ =	strace $0x90000046  }
0xb4: {  	s29 =	simm.s32 $0x9;
	_ =	strace $0x80000048  }
0xb5: {  	_ =	swait.ge [sflag:s29], $0x1  }
0xb6: {  	[sflag:s29] =	ssyncadd.s32 $0xFFFFFFFF  }
0xb7: {  	_ =	strace $0x90000048  }
0xb8: {  	_ =	sfence  }
0xb9: {  	s30 =	sld [smem:$0x0];
	_ =	sdelay $0x2  }
0xba: {  	s31 =	sshll.u32 s1, $0xD;
	s1 =	sshrl.u32 s1, $0x2  }
0xbb: {  	s3 =	sand.u32 $0x4000, s31;
	s1 =	sadd.s32 s1, s30  }
0xbc: {  	s0 =	sor.u32 s3, s0;
	s1 =	sshll.u32 s1, $0x11  }
0xbd: {  	s0 =	sor.u32 s1, s0  }
0xbe: {  	s0 =	sadd.s32 $0x8F2B, s0  }
0xbf: {  	[sflag:s0] =	ssyncadd.remote.s32 $0x1  }
0xc0: {  	_ =	sfence.sel $0xFFFF  }
0xc1: {  	[dreg:$0x0] =	wrdreg $0xFFFFFFFF;
	(pc) =	sbr.abs _section_cstart, $3  }
0xc2: {  	[dreg:$0x1] =	wrdreg $0xFFFFFFFF  }
0xc3: {  	_ =	task.clear_ibuf [dreg:s8], $0x2FFFF;
	_ =	strace $0x9FFFFFFF  }
0xc4: {  	(tm) =	ssettm $0x7FFFFFFF  }
0xc5: {  	_ =	shalt  }
tec
execute0_lowered:
.L_overlay_start_1:
0x0: {  	(tag) =	ssettag $0x1  }
0x1: {  	v1 =	vimm.s32 $0xEDCBA987;
	v0 =	vimm.s32 $0x0;
	v2 =	vlaneseq.u32  }
0x2: {  	v4 =	vimm.s32 $0x65432100;
	v5 =	vimm.s32 $0xDCBA9876;
	v6 =	vimm.s32 $0x54321000  }
0x3: {  	v7 =	vimm.s32 $0xBA987654;
	v8 =	vimm.s32 $0x32100000;
	vm0 =	vmmov $0x3  }
0x4: {  	vm1 =	vmmov $0xf;
	vm2 =	vcmask $0x300;
	v3 =	vunpack.c.l.s4.s8 v1  }
0x5: {  	vm3 =	vcmask $0x3F30;
	v4 =	vunpack.c.l.s4.s8 v4;
	v5 =	vunpack.c.l.s4.s8 v5  }
0x6: {  	v6 =	vunpack.c.l.s4.s8 v6;
	v7 =	vunpack.c.l.s4.s8 v7;
	v3 =	vunpack.c.0.s8.s32 v3  }
0x7: {  	s0 =	rddreg [dreg:$0x0];
	v8 =	vunpack.c.l.s4.s8 v8;
	v4 =	vunpack.c.0.s8.s32 v4;
	v5 =	vunpack.c.0.s8.s32 v5  }
0x8: {  	s1 =	rddreg [dreg:$0x1];
	v6 =	vunpack.c.0.s8.s32 v6;
	v7 =	vunpack.c.0.s8.s32 v7;
	v3 =	vand.u32 $0xF, v3  }
0x9: {  	s2 =	rddreg [dreg:$0x2];
	s3 =	srdreg.scid;
	v3 =	vcombine.low v4, v3;
	v4 =	vand.u32 $0xF, v5;
	v5 =	vunpack.c.0.s8.s32 v8  }
0xa: {  	s4 =	simm.s32 $0x0;
	s9 =	stileid.u32;
	s18 =	simm.s32 $0x80;
	v4 =	vcombine.low v6, v4;
	v6 =	vand.u32 $0xF, v7;
	v7 =	vimm.s32 $0xE40000  }
0xb: {  	s19 =	simm.s32 $0x4080;
	s20 =	simm.s32 $0x5;
	s21 =	simm.s32 $0x1;
	v5 =	vcombine.low v5, v6;
	v6 =	vunpack.c.l.s2.s4 v7;
	v7 =	vimm.f32 $-1.500000000e+01  }
0xc: {  	v9 =	vimm.s32 $0x87654321;
	s22 =	simm.s32 $0x8080;
	s23 =	simm.s32 $0x2;
	s24 =	simm.s32 $0x4;
	v7 =	vsel vm2, $0x80000000, v7;
	vm2 =	vcmask $0x704  }
0xd: {  	s28 =	simm.s32 $0x0;
	v1 =	vimm.s32 $0xFFFFFF81;
	s3 =	sand.u32 $0x1, s3;
	[smem:$0x7FF] =	sst s4;
	v7 =	vsel vm2, $0xBF800000, v7;
	vm2 =	vcmask $0xB08  }
0xe: {  	s5 =	sshll.u32 s9, $0x2;
	s1 =	sadd.s32 $0x400, s1;
	s26 =	sadd.s32 $0x800, s0;
	v9 =	vunpack.c.l.s4.s8 v9;
	v7 =	vsel vm2, $0xC0000000, v7;
	vm2 =	vcmask $0xF0C  }
0xf: {  	s9 =	sshll.u32 s9, $0x6;
	s6 =	sshll.u32 s3, $0x1;
	s3 =	ssub.s32 $0x2, s3;
	v6 =	vunpack.c.l.s4.s8 v6;
	v7 =	vsel vm2, $0xC0400000, v7;
	vm2 =	vcmask $0x1310  }
0x10: {  	_ =	strace $0x80000047;
	s6 =	sor.u32 s6, s5;
	s25 =	sshrl.u32 s3, $0x1;
	v8 =	vimm.s32 $0x7060504;
	v7 =	vsel vm2, $0xC0800000, v7;
	vm2 =	vcmask $0x1714  }
0x11: {  	s29 =	sand.u32 $0x380, s9;
	s7 =	sshll.u32 s6, $0xF;
	s3 =	ssub.s32 s3, s25;
	v6 =	vunpack.c.0.s8.s32 v6;
	v7 =	vsel vm2, $0xC0A00000, v7;
	vm2 =	vcmask $0x1B18  }
0x12: {  	s5 =	sshll.u32 s6, $0x12;
	s10 =	sshll.u32 s6, $0x4;
	s6 =	sor.u32 $0x1, s6;
	v8 =	vunpack.c.0.s8.s32 v8;
	v7 =	vsel vm2, $0xC0C00000, v7;
	vm2 =	vcmask $0x1F1C  }
0x13: {  	s25 =	simm.s32 $0xC080;
	s8 =	sadd.s32 s0, s7;
	s7 =	sadd.s32 s7, s26;
	v6 =	vand.u32 $0x3, v6;
	v7 =	vsel vm2, $0xC0E00000, v7;
	vm2 =	vcmask $0x2320  }
0x14: {  	s30 =	sadd.s32 s1, s10;
	s9 =	sor.u32 $0x8000, s5;
	s10 =	sor.u32 $0xC000, s5;
	v6 =	vsel vm3, v8, v6;
	v7 =	vsel vm2, $0xC1000000, v7;
	vm2 =	vcmask $0x2724  }
0x15: {  	s11 =	sshll.u32 s6, $0x12;
	s13 =	sshll.u32 s6, $0xF;
	[dreg:$0x4] =	wrdreg s8;
	v8 =	vimm.s32 $0xFFEDCBA9;
	v7 =	vsel vm2, $0xC1100000, v7;
	vm2 =	vcmask $0x2B28  }
.Ltmp0:
0x16: {  	s6 =	sshll.u32 s6, $0x4;
	[dreg:$0x5] =	wrdreg s7;
	v8 =	vunpack.c.l.s4.s8 v8;
	v7 =	vsel vm2, $0xC1200000, v7;
	vm2 =	vcmask $0x2F2C;
	(pc) =	sbr.rel .LBB2_1-.Ltmp0, $4  }
0x17: {  	v9 =	vunpack.c.0.s8.s32 v9;
	s1 =	sadd.s32 s1, s29;
	s17 =	smax.u32 s3, $0x1;
	[dreg:$0x6] =	wrdreg s30;
	v7 =	vsel vm2, $0xC1300000, v7;
	vm2 =	vcmask $0x3330  }
0x18: {  	s12 =	sadd.s32 s0, s13;
	s6 =	sand.u32 $0x70, s6;
	s31 =	sadd.s32 s13, s26;
	vm3 =	vcmask $0x3734;
	v8 =	vunpack.c.0.s8.s32 v8;
	v7 =	vsel vm2, $0xC1400000, v7  }
0x19: {  	s15 =	sor.u32 $0x8000, s11;
	s16 =	sor.u32 $0xC000, s11;
	[dreg:$0x7] =	wrdreg s12;
	vm2 =	vmmov $0xff;
	v10 =	vsel vm3, $0xC1500000, v7;
	vm3 =	vcmask $0x3B38  }
0x1a: {  	s26 =	simm.s32 $0x3;
	[dreg:$0x8] =	wrdreg s31;
	s14 =	sadd.s32 s6, s1;
	v7 =	vcombine.low v9, v8;
	v8 =	vimm.s32 $0xF;
	v9 =	vsel vm3, $0xC1600000, v10  }
.LBB2_23:
0x1b: {  	s28 =	sadd.s32 $0x1, s28  }
0x1c: {  	_ =	swait.ge [sflag:s26], $0x4000;
	p0 =	sne.s32 s28, s17  }
.Ltmp1:
0x1d: {  	[sflag:s26] =	ssyncset.done $0x0;
	(pc) =	sbr.rel @!p0 .LBB2_24-.Ltmp1, $4  }
0x1e: {  	[sflag:s26] =	ssyncadd.s32 $0xFFFFC000  }
0x1f: {  	_ =	swait.ge [sflag:s24], $0x4000  }
0x20: {  	[sflag:s24] =	ssyncset.done $0x0  }
0x21: {  	[sflag:s24] =	ssyncadd.s32 $0xFFFFC000  }
.LBB2_1:
0x22: {  	s1 =	rddreg [dreg:$0x4]  }
0x23: {  	[tilespmem:s18], [sflag:$0x1] =	stream.linear.gather [hbm4b:s1+s4], $0x4000, $0x38;
	[tilespmem:$0x10080] =	vst v63  }
0x24: {  	s30 =	rddreg [dreg:$0x5]  }
0x25: {  	[tilespmem:s19], [sflag:$0x2] =	stream.linear.gather [hbm4b:s30+s4], $0x4000, $0x38;
	[tilespmem:$0x10080] =	vst v63  }
0x26: {  	s31 =	rddreg [dreg:$0x6]  }
0x27: {  	[tilespmem:s4], [sflag:$0x5] =	stream.linear.gather [hbm4b:s31+s4], $0x80, $0x38;
	[tilespmem:$0x10080] =	vst v63  }
0x28: {  	_ =	swait.ge [sflag:s20], $0x80  }
0x29: {  	[sflag:s20] =	ssyncset.done $0x0  }
0x2a: {  	[sflag:s20] =	ssyncadd.s32 $0xFFFFFF80  }
0x2b: {  	v10 =	vld [tilespmem:$0x0];
	_ =	sdelay $0x4  }
0x2c: {  	v11 =	vperm.xlane v10, v0;
	_ =	sdelay $0x1  }
0x2d: {  	v11 =	vsub.f32 $0.0e+00, v11;
	_ =	sdelay $0x1  }
0x2e: {  	v11 =	vmul.f32 $1.442695020e+00, v11;
	_ =	sdelay $0x1  }
0x2f: {  	(erf) = vpow2.f32 v11;
	_ =	sdelay $0x8  }
0x30: {  	v11 =	vpop (erf)  }
0x31: {  	v11 =	vadd.f32 $1.000000000e+00, v11  }
0x32: {  	v12 =	vmul.f32 $1.442695020e+00, v10  }
0x33: {  	(erf) = vrcp.f32 v11  }
0x34: {  	(erf) = vpow2.f32 v12;
	_ =	sdelay $0x7  }
0x35: {  	v11 =	vpop (erf)  }
0x36: {  	v12 =	vpop (erf)  }
0x37: {  	v12 =	vadd.f32 $1.000000000e+00, v12;
	_ =	sdelay $0x1  }
0x38: {  	v13 =	vand.u32 $0x7FFFFF, v12  }
0x39: {  	v13 =	vor.u32 $0x3F800000, v13  }
0x3a: {  	v14 =	vmul.f32 $5.000000000e-01, v13  }
0x3b: {  	vm3 =	vgt.f32 v13, $1.414213540e+00  }
0x3c: {  	v13 =	vsel vm3, v14, v13  }
0x3d: {  	v14 =	vadd.f32 $1.000000000e+00, v13;
	_ =	sdelay $0x1  }
0x3e: {  	(erf) = vrcp.f32 v14;
	_ =	sdelay $0x7  }
0x3f: {  	v13 =	vadd.f32 $-1.000000000e+00, v13  }
0x40: {  	v14 =	vpop (erf)  }
0x41: {  	v13 =	vmul.f32 v14, v13;
	_ =	sdelay $0x1  }
0x42: {  	v14 =	vmul.f32 v13, v13;
	_ =	sdelay $0x1  }
0x43: {  	v15 =	vmul.f32 $1.111111120e-01, v14;
	_ =	sdelay $0x1  }
0x44: {  	v15 =	vadd.f32 $1.428571490e-01, v15;
	_ =	sdelay $0x1  }
0x45: {  	v15 =	vmul.f32 v15, v14;
	_ =	sdelay $0x1  }
0x46: {  	v15 =	vadd.f32 $2.000000030e-01, v15;
	_ =	sdelay $0x1  }
0x47: {  	v15 =	vmul.f32 v15, v14;
	_ =	sdelay $0x1  }
0x48: {  	v15 =	vadd.f32 $3.333333430e-01, v15;
	_ =	sdelay $0x1  }
0x49: {  	v12 =	vshra.s32 v12, $0x17;
	v60 =	vsel vm3, $0xFFFFFF82, v1;
	v14 =	vmul.f32 v15, v14  }
0x4a: {  	v12 =	vadd.s32 v12, v60  }
0x4b: {  	v12 =	vcvt.s32.f32 v12;
	v13 =	vadd.f32 v13, v13;
	v14 =	vadd.f32 $1.000000000e+00, v14;
	_ =	sdelay $0x1  }
0x4c: {  	v12 =	vmul.f32 $6.931471820e-01, v12;
	v13 =	vmul.f32 v14, v13;
	_ =	sdelay $0x1  }
0x4d: {  	v12 =	vadd.f32 v13, v12  }
0x4e: {  	vm3 =	vgt.f32 v10, $2.000000000e+01  }
0x4f: {  	v10 =	vsel vm3, v10, v12  }
0x50: {  	v10 =	vadd.f32 $1.999999960e-02, v10  }
0x51: {  	vm3 =	veq.s32 v2, $0x0  }
0x52: {  	v10 =	vsel vm3, $0x0, v10  }
0x53: {  	v61 =	vperm.xlane v10, v3;
	_ =	sdelay $0x1  }
0x54: {  	v12 =	vsel vm3, $0x0, v61  }
0x55: {  	v10 =	vadd.f32 v10, v12;
	_ =	sdelay $0x1  }
0x56: {  	v12 =	vperm.xlane v10, v4;
	_ =	sdelay $0x1  }
0x57: {  	v12 =	vsel vm0, $0x0, v12  }
0x58: {  	v10 =	vadd.f32 v10, v12;
	_ =	sdelay $0x1  }
0x59: {  	v12 =	vperm.xlane v10, v5;
	_ =	sdelay $0x1  }
0x5a: {  	v12 =	vsel vm1, $0x0, v12  }
0x5b: {  	v10 =	vadd.f32 v10, v12;
	_ =	sdelay $0x1  }
0x5c: {  	v12 =	vperm.xlane v10, v6;
	_ =	sdelay $0x1  }
0x5d: {  	v12 =	vsel vm2, $0x0, v12  }
0x5e: {  	v10 =	vadd.f32 v10, v12;
	_ =	sdelay $0x1  }
0x5f: {  	v12 =	vperm.xlane v10, v8;
	_ =	sdelay $0x1  }
0x60: {  	v12 =	vmax.f32 v12, $9.999999970e-07  }
0x61: {  	(erf) = vrcp.f32 v12;
	_ =	sdelay $0x7  }
0x62: {  	v11 =	vmul.f32 $2.500000040e-02, v11  }
0x63: {  	v12 =	vpop (erf)  }
0x64: {  	v62 =	vsub.f32 $1.000000000e+00, v11;
	v10 =	vmul.f32 v10, v12;
	_ =	sdelay $0x1  }
0x65: {  	v10 =	vmul.f32 v10, v62;
	_ =	sdelay $0x1  }
0x66: {  	v11 =	vadd.f32 v10, v11;
	_ =	sdelay $0x1  }
0x67: {  	v10 =	vperm.xlane v11, v7;
	_ =	sdelay $0x1  }
0x68: {  	v10 =	vsub.f32 v10, v11;
	_ =	sdelay $0x1  }
0x69: {  	v63 =	vmul.f32 v9, v10;
	_ =	sdelay $0x1  }
0x6a: {  	v11 =	vadd.f32 v63, v11  }
0x6b: {  	s29 =	simm.s32 $0x0  }
.LBB2_2:
0x6c: {  	_ =	swait.ge [sflag:s21], $0x4000;
	p0 =	seq.s32 s29, $0x0  }
0x6d: {  	s3 =	simm.s32 $0x0;
	s6 =	simm.s32 $0x0;
	[sflag:s21] =	ssyncset.done $0x0  }
0x6e: {  	s7 =	simm.s32 $0x0;
	s1 =	simm.s32 @!p0 $0x3;
	[sflag:s21] =	ssyncadd.s32 $0xFFFFC000  }
0x6f: {  	s6 =	sand.u32 $0x3000, s6;
	s8 =	sand.u32 $0xC00, s3;
	_ =	swait.ge @!p0 [sflag:s1], $0x4000  }
0x70: {  	s7 =	sand.u32 $0x380, s7;
	s6 =	sor.u32 s8, s6;
	[sflag:s1] =	ssyncset.done @!p0 $0x0  }
0x71: {  	[sflag:s1] =	ssyncadd.s32 @!p0 $0xFFFFC000;
	s1 =	sor.u32 s7, s6  }
0x72: {  	v12 =	vld [tilespmem:s1+$0xF0]  }
0x73: {  	v15 =	vld [tilespmem:s1+$0xD0]  }
0x74: {  	v16 =	vld [tilespmem:s1+$0xC0]  }
0x75: {  	v18 =	vld [tilespmem:s1+$0xB0]  }
0x76: {  	v14 =	vld [tilespmem:s1+$0xE0];
	_ =	sdelay $0x1  }
0x77: {  	v21 =	vld [tilespmem:s1+$0x80]  }
0x78: {  	v13 =	vmul.f32 $1.500000000e+01, v12;
	v17 =	vmul.f32 $1.500000000e+01, v15  }
0x79: {  	v22 =	vld [tilespmem:s1+$0xA0];
	v19 =	vmul.f32 $1.500000000e+01, v16;
	v12 =	vmul.f32 $1.500000000e+01, v18  }
0x7a: {  	v20 =	vmul.f32 $1.500000000e+01, v14;
	v14 =	vld [tilespmem:s1+$0x90];
	v15 =	vtrunc.f32 v17  }
0x7b: {  	v18 =	vtrunc.f32 v19;
	v25 =	vtrunc.f32 v12  }
0x7c: {  	v16 =	vcvt.f32.s32 v15;
	v15 =	vmul.f32 $1.500000000e+01, v21  }
0x7d: {  	v21 =	vtrunc.f32 v20;
	v18 =	vcvt.f32.s32 v18  }
0x7e: {  	v30 =	vcvt.f32.s32 v25;
	v23 =	vcvt.f32.s32 v21  }
0x7f: {  	v29 =	vand.u32 $0xF, v16;
	v16 =	vmul.f32 $1.500000000e+01, v22;
	v14 =	vmul.f32 $1.500000000e+01, v14  }
0x80: {  	v24 =	vtrunc.f32 v15;
	v28 =	vand.u32 $0xF, v18;
	v21 =	vperm.xlane v11, v29  }
0x81: {  	v22 =	vand.u32 $0xF, v23;
	v25 =	vperm.xlane v10, v29;
	v29 =	vtrunc.f32 v13  }
0x82: {  	v18 =	vand.u32 $0xF, v30;
	v30 =	vperm.xlane v10, v28;
	v27 =	vperm.xlane v10, v22  }
0x83: {  	v26 =	vtrunc.f32 v14;
	v23 =	vtrunc.f32 v16  }
0x84: {  	s6 =	simm.s32 $0x0;
	v22 =	vperm.xlane v11, v22;
	v29 =	vcvt.f32.s32 v29  }
.LBB2_3:
0x85: {  	s6 =	sadd.s32 $0x8, s6;
	v31 =	vperm.xlane v11, v18;
	v28 =	vperm.xlane v11, v28;
	s3 =	sadd.s32 $0x400, s3  }
0x86: {  	v20 =	vmul.f32 v27, v20;
	s7 =	sshll.u32 s6, $0x4;
	s8 =	sshll.u32 s6, $0x2;
	p1 =	slt.u32 s6, $0x3F8;
	v19 =	vmul.f32 v30, v19  }
0x87: {  	v24 =	vcvt.f32.s32 v24;
	v26 =	vcvt.f32.s32 v26;
	s30 =	sand.u32 $0xC00, s3;
	v27 =	vand.u32 $0xF, v29;
	s7 =	sand.u32 $0x3000, s7  }
0x88: {  	v23 =	vcvt.f32.s32 v23;
	s8 =	sand.u32 $0x380, s8;
	v29 =	vperm.xlane v11, v27;
	s7 =	sor.u32 s30, s7  }
0x89: {  	v17 =	vmul.f32 v25, v17;
	v20 =	vadd.f32 v20, v22;
	v22 =	vperm.xlane v10, v27;
	s7 =	sor.u32 s8, s7  }
0x8a: {  	v24 =	vand.u32 $0xF, v24;
	v26 =	vand.u32 $0xF, v26;
	v23 =	vand.u32 $0xF, v23;
	v25 =	vld [tilespmem:s7+$0xF0]  }
0x8b: {  	v17 =	vadd.f32 v17, v21;
	v30 =	vperm.xlane v11, v24;
	v32 =	vperm.xlane v11, v26;
	v27 =	vld [tilespmem:s7+$0xE0];
	[tilespmem:s1+$0x80E0] =	vst v20  }
0x8c: {  	v21 =	vperm.xlane v10, v24;
	v19 =	vadd.f32 v19, v28;
	v13 =	vmul.f32 v22, v13;
	v20 =	vld [tilespmem:s7+$0xD0]  }
0x8d: {  	v24 =	vperm.xlane v10, v26;
	v26 =	vperm.xlane v10, v23;
	v22 =	vld [tilespmem:s7+$0xC0];
	[tilespmem:s1+$0x80D0] =	vst v17  }
0x8e: {  	v15 =	vmul.f32 v21, v15;
	v21 =	vperm.xlane v11, v23;
	v17 =	vadd.f32 v13, v29;
	v28 =	vld [tilespmem:s7+$0xB0];
	[tilespmem:s1+$0x80C0] =	vst v19  }
0x8f: {  	v18 =	vperm.xlane v10, v18;
	v16 =	vmul.f32 v26, v16;
	v23 =	vld [tilespmem:s7+$0xA0]  }
0x90: {  	v14 =	vmul.f32 v24, v14;
	v15 =	vadd.f32 v15, v30;
	v13 =	vmul.f32 $1.500000000e+01, v25;
	v26 =	vld [tilespmem:s7+$0x80];
	[tilespmem:s1+$0x80F0] =	vst v17  }
0x91: {  	v18 =	vmul.f32 v18, v12;
	v16 =	vadd.f32 v16, v21;
	v17 =	vmul.f32 $1.500000000e+01, v20  }
0x92: {  	v14 =	vadd.f32 v14, v32;
	v20 =	vmul.f32 $1.500000000e+01, v27;
	v19 =	vmul.f32 $1.500000000e+01, v22;
	[tilespmem:s1+$0x8080] =	vst v15  }
0x93: {  	v21 =	vld [tilespmem:s7+$0x90];
	v12 =	vmul.f32 $1.500000000e+01, v28;
	v15 =	vtrunc.f32 v17;
	[tilespmem:s1+$0x80A0] =	vst v16;
	v16 =	vadd.f32 v18, v31  }
0x94: {  	v18 =	vtrunc.f32 v19;
	v22 =	vcvt.f32.s32 v15;
	[tilespmem:s1+$0x8090] =	vst v14  }
0x95: {  	v14 =	vtrunc.f32 v20;
	v15 =	vmul.f32 $1.500000000e+01, v26;
	[tilespmem:s1+$0x80B0] =	vst v16;
	s1 =	smov.u32 s7  }
0x96: {  	v25 =	vtrunc.f32 v12;
	v29 =	vand.u32 $0xF, v22;
	v22 =	vcvt.f32.s32 v14  }
0x97: {  	v16 =	vmul.f32 $1.500000000e+01, v23;
	v18 =	vcvt.f32.s32 v18  }
0x98: {  	v14 =	vmul.f32 $1.500000000e+01, v21;
	v21 =	vperm.xlane v11, v29;
	v22 =	vand.u32 $0xF, v22  }
.Ltmp2:
0x99: {  	v24 =	vtrunc.f32 v15;
	v28 =	vand.u32 $0xF, v18;
	v27 =	vperm.xlane v10, v22;
	(pc) =	sbr.rel @p1 .LBB2_3-.Ltmp2, $4  }
0x9a: {  	v23 =	vtrunc.f32 v16;
	v26 =	vtrunc.f32 v14  }
0x9b: {  	v18 =	vcvt.f32.s32 v25;
	v22 =	vperm.xlane v11, v22  }
0x9c: {  	v25 =	vperm.xlane v10, v29;
	v29 =	vtrunc.f32 v13  }
0x9d: {  	v30 =	vperm.xlane v10, v28;
	v18 =	vand.u32 $0xF, v18;
	v29 =	vcvt.f32.s32 v29  }
0x9e: {  	v28 =	vperm.xlane v11, v28;
	v20 =	vmul.f32 v27, v20  }
0x9f: {  	v24 =	vcvt.f32.s32 v24;
	v26 =	vcvt.f32.s32 v26  }
0xa0: {  	v23 =	vcvt.f32.s32 v23;
	v17 =	vmul.f32 v25, v17  }
0xa1: {  	v61 =	vperm.xlane v10, v18;
	v62 =	vperm.xlane v11, v18;
	v54 =	vand.u32 $0xF, v29  }
0xa2: {  	v19 =	vmul.f32 v30, v19;
	v29 =	vperm.xlane v11, v54  }
0xa3: {  	v55 =	vperm.xlane v10, v54;
	v24 =	vand.u32 $0xF, v24;
	v20 =	vadd.f32 v20, v22  }
0xa4: {  	v56 =	vand.u32 $0xF, v26;
	v23 =	vand.u32 $0xF, v23;
	v12 =	vmul.f32 v61, v12  }
0xa5: {  	v17 =	vadd.f32 v17, v21;
	v57 =	vperm.xlane v11, v24;
	v24 =	vperm.xlane v10, v24  }
0xa6: {  	v59 =	vperm.xlane v10, v23;
	v19 =	vadd.f32 v19, v28;
	v13 =	vmul.f32 v55, v13;
	[tilespmem:s1+$0x80E0] =	vst v20  }
0xa7: {  	v58 =	vperm.xlane v10, v56;
	[tilespmem:s1+$0x80D0] =	vst v17;
	v12 =	vadd.f32 v12, v62;
	v15 =	vmul.f32 v24, v15  }
0xa8: {  	v60 =	vperm.xlane v11, v23;
	v16 =	vmul.f32 v59, v16;
	[tilespmem:s1+$0x80C0] =	vst v19;
	v13 =	vadd.f32 v13, v29  }
0xa9: {  	p1 =	sne.s32 s29, $0x7;
	v22 =	vperm.xlane v11, v56;
	v14 =	vmul.f32 v58, v14;
	[tilespmem:s1+$0x80B0] =	vst v12;
	v15 =	vadd.f32 v15, v57  }
.Ltmp3:
0xaa: {  	s30 =	sshll.u32 s29, $0xF;
	v63 =	vadd.f32 v16, v60;
	[tilespmem:s1+$0x80F0] =	vst v13;
	(pc) =	sbr.rel @p1 .LBB2_6-.Ltmp3, $4  }
0xab: {  	s3 =	sor.u32 s5, s30;
	v14 =	vadd.f32 v14, v22;
	[tilespmem:s1+$0x8080] =	vst v15  }
0xac: {  	s31 =	sshrl.u32 s3, $0x3;
	[tilespmem:s1+$0x80A0] =	vst v63  }
0xad: {  	s13 =	sadd.s32 s2, s31;
	[tilespmem:s1+$0x8090] =	vst v14  }
0xae: {  	[hbm4b:s13+s4] =	stream.linear.scatter [tilespmem:s22], [sflag:$0x3], $0x4000, $0x38;
	[tilespmem:$0x10080] =	vst v63  }
.Ltmp4:
0xaf: {  	(pc) =	sbr.rel .LBB2_7-.Ltmp4, $4  }
0xb0: {  	_ = 	snop  }
0xb1: {  	_ =	swait.ge [sflag:s23], $0x4000  }
0xb2: {  	[sflag:s23] =	ssyncset.done $0x0  }
0xb3: {  	[sflag:s23] =	ssyncadd.s32 $0xFFFFC000  }
.LBB2_6:
0xb4: {  	s1 =	sadd.s32 s9, s30  }
0xb5: {  	s1 =	sshrl.u32 s1, $0x3  }
.Ltmp5:
0xb6: {  	s1 =	sadd.s32 s0, s1;
	(pc) =	sbr.rel @p0 .LBB2_8-.Ltmp5, $4  }
0xb7: {  	[tilespmem:s18], [sflag:$0x1] =	stream.linear.gather [hbm4b:s1+s4], $0x4000, $0x38;
	[tilespmem:$0x10080] =	vst v63  }
0xb8: {  	_ =	swait.ge [sflag:s23], $0x4000  }
0xb9: {  	[sflag:s23] =	ssyncset.done $0x0  }
0xba: {  	[sflag:s23] =	ssyncadd.s32 $0xFFFFC000  }
.LBB2_7:
0xbb: {  	_ =	swait.ge [sflag:s24], $0x4000  }
0xbc: {  	[sflag:s24] =	ssyncset.done $0x0  }
0xbd: {  	[sflag:s24] =	ssyncadd.s32 $0xFFFFC000  }
.LBB2_8:
0xbe: {  	s3 =	simm.s32 $0x0;
	s1 =	simm.s32 $0x0  }
0xbf: {  	s6 =	simm.s32 $0x0;
	s1 =	sand.u32 $0x3000, s1;
	s7 =	sand.u32 $0xC00, s3  }
0xc0: {  	s6 =	sand.u32 $0x380, s6;
	s1 =	sor.u32 s7, s1  }
0xc1: {  	s1 =	sor.u32 s6, s1  }
0xc2: {  	v12 =	vld [tilespmem:s1+$0x40F0]  }
0xc3: {  	v15 =	vld [tilespmem:s1+$0x40D0]  }
0xc4: {  	v16 =	vld [tilespmem:s1+$0x40C0]  }
0xc5: {  	v18 =	vld [tilespmem:s1+$0x40B0]  }
0xc6: {  	v14 =	vld [tilespmem:s1+$0x40E0];
	_ =	sdelay $0x1  }
0xc7: {  	v21 =	vld [tilespmem:s1+$0x4080]  }
0xc8: {  	v13 =	vmul.f32 $1.500000000e+01, v12;
	v17 =	vmul.f32 $1.500000000e+01, v15  }
0xc9: {  	v22 =	vld [tilespmem:s1+$0x40A0];
	v19 =	vmul.f32 $1.500000000e+01, v16;
	v12 =	vmul.f32 $1.500000000e+01, v18  }
0xca: {  	v20 =	vmul.f32 $1.500000000e+01, v14;
	v14 =	vld [tilespmem:s1+$0x4090];
	v15 =	vtrunc.f32 v17  }
0xcb: {  	v18 =	vtrunc.f32 v19;
	v25 =	vtrunc.f32 v12  }
0xcc: {  	v16 =	vcvt.f32.s32 v15;
	v15 =	vmul.f32 $1.500000000e+01, v21  }
0xcd: {  	v21 =	vtrunc.f32 v20;
	v18 =	vcvt.f32.s32 v18  }
0xce: {  	v30 =	vcvt.f32.s32 v25;
	v23 =	vcvt.f32.s32 v21  }
0xcf: {  	v29 =	vand.u32 $0xF, v16;
	v16 =	vmul.f32 $1.500000000e+01, v22;
	v14 =	vmul.f32 $1.500000000e+01, v14  }
0xd0: {  	v24 =	vtrunc.f32 v15;
	v28 =	vand.u32 $0xF, v18;
	v21 =	vperm.xlane v11, v29  }
0xd1: {  	v22 =	vand.u32 $0xF, v23;
	v25 =	vperm.xlane v10, v29;
	v29 =	vtrunc.f32 v13  }
0xd2: {  	v18 =	vand.u32 $0xF, v30;
	v30 =	vperm.xlane v10, v28;
	v27 =	vperm.xlane v10, v22  }
0xd3: {  	v26 =	vtrunc.f32 v14;
	v23 =	vtrunc.f32 v16  }
0xd4: {  	s6 =	simm.s32 $0x0;
	v22 =	vperm.xlane v11, v22;
	v29 =	vcvt.f32.s32 v29  }
.LBB2_9:
0xd5: {  	s6 =	sadd.s32 $0x8, s6;
	v31 =	vperm.xlane v11, v18;
	v28 =	vperm.xlane v11, v28;
	s3 =	sadd.s32 $0x400, s3  }
0xd6: {  	v20 =	vmul.f32 v27, v20;
	s7 =	sshll.u32 s6, $0x4;
	s8 =	sshll.u32 s6, $0x2;
	p0 =	slt.u32 s6, $0x3F8;
	v19 =	vmul.f32 v30, v19  }
0xd7: {  	v24 =	vcvt.f32.s32 v24;
	v26 =	vcvt.f32.s32 v26;
	s12 =	sand.u32 $0xC00, s3;
	v27 =	vand.u32 $0xF, v29;
	s7 =	sand.u32 $0x3000, s7  }
0xd8: {  	v23 =	vcvt.f32.s32 v23;
	s8 =	sand.u32 $0x380, s8;
	v29 =	vperm.xlane v11, v27;
	s7 =	sor.u32 s12, s7  }
0xd9: {  	v17 =	vmul.f32 v25, v17;
	v20 =	vadd.f32 v20, v22;
	v22 =	vperm.xlane v10, v27;
	s7 =	sor.u32 s8, s7  }
0xda: {  	v24 =	vand.u32 $0xF, v24;
	v26 =	vand.u32 $0xF, v26;
	v23 =	vand.u32 $0xF, v23;
	v25 =	vld [tilespmem:s7+$0x40F0]  }
0xdb: {  	v17 =	vadd.f32 v17, v21;
	v30 =	vperm.xlane v11, v24;
	v32 =	vperm.xlane v11, v26;
	v27 =	vld [tilespmem:s7+$0x40E0];
	[tilespmem:s1+$0xC0E0] =	vst v20  }
0xdc: {  	v21 =	vperm.xlane v10, v24;
	v19 =	vadd.f32 v19, v28;
	v13 =	vmul.f32 v22, v13;
	v20 =	vld [tilespmem:s7+$0x40D0]  }
0xdd: {  	v24 =	vperm.xlane v10, v26;
	v26 =	vperm.xlane v10, v23;
	v22 =	vld [tilespmem:s7+$0x40C0];
	[tilespmem:s1+$0xC0D0] =	vst v17  }
0xde: {  	v15 =	vmul.f32 v21, v15;
	v21 =	vperm.xlane v11, v23;
	v17 =	vadd.f32 v13, v29;
	v28 =	vld [tilespmem:s7+$0x40B0];
	[tilespmem:s1+$0xC0C0] =	vst v19  }
0xdf: {  	v18 =	vperm.xlane v10, v18;
	v16 =	vmul.f32 v26, v16;
	v23 =	vld [tilespmem:s7+$0x40A0]  }
0xe0: {  	v14 =	vmul.f32 v24, v14;
	v15 =	vadd.f32 v15, v30;
	v13 =	vmul.f32 $1.500000000e+01, v25;
	v26 =	vld [tilespmem:s7+$0x4080];
	[tilespmem:s1+$0xC0F0] =	vst v17  }
0xe1: {  	v18 =	vmul.f32 v18, v12;
	v16 =	vadd.f32 v16, v21;
	v17 =	vmul.f32 $1.500000000e+01, v20  }
0xe2: {  	v14 =	vadd.f32 v14, v32;
	v20 =	vmul.f32 $1.500000000e+01, v27;
	v19 =	vmul.f32 $1.500000000e+01, v22;
	[tilespmem:s1+$0xC080] =	vst v15  }
0xe3: {  	v21 =	vld [tilespmem:s7+$0x4090];
	v12 =	vmul.f32 $1.500000000e+01, v28;
	v15 =	vtrunc.f32 v17;
	[tilespmem:s1+$0xC0A0] =	vst v16;
	v16 =	vadd.f32 v18, v31  }
0xe4: {  	v18 =	vtrunc.f32 v19;
	v22 =	vcvt.f32.s32 v15;
	[tilespmem:s1+$0xC090] =	vst v14  }
0xe5: {  	v14 =	vtrunc.f32 v20;
	v15 =	vmul.f32 $1.500000000e+01, v26;
	[tilespmem:s1+$0xC0B0] =	vst v16;
	s1 =	smov.u32 s7  }
0xe6: {  	v25 =	vtrunc.f32 v12;
	v29 =	vand.u32 $0xF, v22;
	v22 =	vcvt.f32.s32 v14  }
0xe7: {  	v16 =	vmul.f32 $1.500000000e+01, v23;
	v18 =	vcvt.f32.s32 v18  }
0xe8: {  	v14 =	vmul.f32 $1.500000000e+01, v21;
	v21 =	vperm.xlane v11, v29;
	v22 =	vand.u32 $0xF, v22  }
.Ltmp6:
0xe9: {  	v24 =	vtrunc.f32 v15;
	v28 =	vand.u32 $0xF, v18;
	v27 =	vperm.xlane v10, v22;
	(pc) =	sbr.rel @p0 .LBB2_9-.Ltmp6, $4  }
0xea: {  	v23 =	vtrunc.f32 v16;
	v26 =	vtrunc.f32 v14  }
0xeb: {  	v18 =	vcvt.f32.s32 v25;
	v22 =	vperm.xlane v11, v22  }
0xec: {  	v25 =	vperm.xlane v10, v29;
	v29 =	vtrunc.f32 v13  }
0xed: {  	v30 =	vperm.xlane v10, v28;
	v18 =	vand.u32 $0xF, v18;
	v29 =	vcvt.f32.s32 v29  }
0xee: {  	v28 =	vperm.xlane v11, v28;
	v20 =	vmul.f32 v27, v20  }
0xef: {  	v24 =	vcvt.f32.s32 v24;
	v26 =	vcvt.f32.s32 v26  }
0xf0: {  	v23 =	vcvt.f32.s32 v23;
	v17 =	vmul.f32 v25, v17  }
0xf1: {  	v61 =	vperm.xlane v10, v18;
	v62 =	vperm.xlane v11, v18;
	v54 =	vand.u32 $0xF, v29  }
0xf2: {  	v19 =	vmul.f32 v30, v19;
	v29 =	vperm.xlane v11, v54  }
0xf3: {  	v55 =	vperm.xlane v10, v54;
	v24 =	vand.u32 $0xF, v24;
	v20 =	vadd.f32 v20, v22  }
0xf4: {  	v56 =	vand.u32 $0xF, v26;
	v23 =	vand.u32 $0xF, v23;
	v12 =	vmul.f32 v61, v12  }
0xf5: {  	v17 =	vadd.f32 v17, v21;
	v57 =	vperm.xlane v11, v24;
	v24 =	vperm.xlane v10, v24  }
0xf6: {  	v59 =	vperm.xlane v10, v23;
	v19 =	vadd.f32 v19, v28;
	v13 =	vmul.f32 v55, v13;
	[tilespmem:s1+$0xC0E0] =	vst v20  }
0xf7: {  	v58 =	vperm.xlane v10, v56;
	[tilespmem:s1+$0xC0D0] =	vst v17;
	v12 =	vadd.f32 v12, v62;
	v15 =	vmul.f32 v24, v15  }
0xf8: {  	v60 =	vperm.xlane v11, v23;
	v16 =	vmul.f32 v59, v16;
	[tilespmem:s1+$0xC0C0] =	vst v19;
	v13 =	vadd.f32 v13, v29  }
0xf9: {  	p0 =	seq.s32 s29, $0x7;
	v22 =	vperm.xlane v11, v56;
	v14 =	vmul.f32 v58, v14;
	[tilespmem:s1+$0xC0B0] =	vst v12;
	v15 =	vadd.f32 v15, v57  }
.Ltmp7:
0xfa: {  	v63 =	vadd.f32 v16, v60;
	[tilespmem:s1+$0xC0F0] =	vst v13;
	(pc) =	sbr.rel @p0 .LBB2_12-.Ltmp7, $4  }
0xfb: {  	v14 =	vadd.f32 v14, v22;
	[tilespmem:s1+$0xC080] =	vst v15  }
0xfc: {  	s3 =	sadd.s32 s31, s2;
	[tilespmem:s1+$0xC0A0] =	vst v63  }
0xfd: {  	s31 =	sadd.s32 $0x800, s3;
	[tilespmem:s1+$0xC090] =	vst v14  }
0xfe: {  	[hbm4b:s31+s4] =	stream.linear.scatter [tilespmem:s25], [sflag:$0x4], $0x4000, $0x38;
	[tilespmem:$0x10080] =	vst v63  }
.Ltmp8:
0xff: {  	(pc) =	sbr.rel .LBB2_2-.Ltmp8, $4  }
0x100: {  	s1 =	sadd.s32 s10, s30  }
0x101: {  	s1 =	sshrl.u32 s1, $0x3  }
0x102: {  	s29 =	sadd.s32 $0x1, s29;
	s1 =	sadd.s32 s0, s1  }
0x103: {  	[tilespmem:s19], [sflag:$0x2] =	stream.linear.gather [hbm4b:s1+s4], $0x4000, $0x38;
	[tilespmem:$0x10080] =	vst v63  }
.LBB2_12:
0x104: {  	_ =	swait.ge [sflag:s26], $0x4000  }
0x105: {  	[sflag:s26] =	ssyncset.done $0x0  }
0x106: {  	[sflag:s26] =	ssyncadd.s32 $0xFFFFC000  }
0x107: {  	_ =	swait.ge [sflag:s24], $0x4000  }
0x108: {  	[sflag:s24] =	ssyncset.done $0x0  }
0x109: {  	s29 =	simm.s32 $0x0;
	s1 =	rddreg [dreg:$0x7];
	[sflag:s24] =	ssyncadd.s32 $0xFFFFC000  }
0x10a: {  	[tilespmem:s18], [sflag:$0x1] =	stream.linear.gather [hbm4b:s1+s29], $0x4000, $0x38;
	[tilespmem:$0x10080] =	vst v63  }
0x10b: {  	s31 =	rddreg [dreg:$0x8]  }
0x10c: {  	[tilespmem:s19], [sflag:$0x2] =	stream.linear.gather [hbm4b:s31+s29], $0x4000, $0x38;
	[tilespmem:$0x10080] =	vst v63  }
0x10d: {  	_ = 	snop  }
0x10e: {  	[tilespmem:s29], [sflag:$0x5] =	stream.linear.gather [hbm4b:s14+s29], $0x80, $0x38;
	[tilespmem:$0x10080] =	vst v63  }
0x10f: {  	_ =	swait.ge [sflag:s20], $0x80  }
0x110: {  	[sflag:s20] =	ssyncset.done $0x0  }
0x111: {  	[sflag:s20] =	ssyncadd.s32 $0xFFFFFF80  }
0x112: {  	v10 =	vld [tilespmem:$0x0];
	_ =	sdelay $0x4  }
0x113: {  	v11 =	vperm.xlane v10, v0;
	_ =	sdelay $0x1  }
0x114: {  	v11 =	vsub.f32 $0.0e+00, v11;
	_ =	sdelay $0x1  }
0x115: {  	v11 =	vmul.f32 $1.442695020e+00, v11;
	_ =	sdelay $0x1  }
0x116: {  	(erf) = vpow2.f32 v11;
	_ =	sdelay $0x8  }
0x117: {  	v11 =	vpop (erf)  }
0x118: {  	v11 =	vadd.f32 $1.000000000e+00, v11  }
0x119: {  	v12 =	vmul.f32 $1.442695020e+00, v10  }
0x11a: {  	(erf) = vrcp.f32 v11  }
0x11b: {  	(erf) = vpow2.f32 v12;
	_ =	sdelay $0x7  }
0x11c: {  	v11 =	vpop (erf)  }
0x11d: {  	v12 =	vpop (erf)  }
0x11e: {  	v12 =	vadd.f32 $1.000000000e+00, v12;
	_ =	sdelay $0x1  }
0x11f: {  	v13 =	vand.u32 $0x7FFFFF, v12  }
0x120: {  	v13 =	vor.u32 $0x3F800000, v13  }
0x121: {  	v14 =	vmul.f32 $5.000000000e-01, v13  }
0x122: {  	vm3 =	vgt.f32 v13, $1.414213540e+00  }
0x123: {  	v13 =	vsel vm3, v14, v13  }
0x124: {  	v14 =	vadd.f32 $1.000000000e+00, v13;
	_ =	sdelay $0x1  }
0x125: {  	(erf) = vrcp.f32 v14;
	_ =	sdelay $0x7  }
0x126: {  	v13 =	vadd.f32 $-1.000000000e+00, v13  }
0x127: {  	v14 =	vpop (erf)  }
0x128: {  	v13 =	vmul.f32 v14, v13;
	_ =	sdelay $0x1  }
0x129: {  	v14 =	vmul.f32 v13, v13;
	_ =	sdelay $0x1  }
0x12a: {  	v15 =	vmul.f32 $1.111111120e-01, v14;
	_ =	sdelay $0x1  }
0x12b: {  	v15 =	vadd.f32 $1.428571490e-01, v15;
	_ =	sdelay $0x1  }
0x12c: {  	v15 =	vmul.f32 v15, v14;
	_ =	sdelay $0x1  }
0x12d: {  	v15 =	vadd.f32 $2.000000030e-01, v15;
	_ =	sdelay $0x1  }
0x12e: {  	v15 =	vmul.f32 v15, v14;
	_ =	sdelay $0x1  }
0x12f: {  	v15 =	vadd.f32 $3.333333430e-01, v15;
	_ =	sdelay $0x1  }
0x130: {  	v12 =	vshra.s32 v12, $0x17;
	v60 =	vsel vm3, $0xFFFFFF82, v1;
	v14 =	vmul.f32 v15, v14  }
0x131: {  	v12 =	vadd.s32 v12, v60  }
0x132: {  	v12 =	vcvt.s32.f32 v12;
	v13 =	vadd.f32 v13, v13;
	v14 =	vadd.f32 $1.000000000e+00, v14;
	_ =	sdelay $0x1  }
0x133: {  	v12 =	vmul.f32 $6.931471820e-01, v12;
	v13 =	vmul.f32 v14, v13;
	_ =	sdelay $0x1  }
0x134: {  	v12 =	vadd.f32 v13, v12  }
0x135: {  	vm3 =	vgt.f32 v10, $2.000000000e+01  }
0x136: {  	v10 =	vsel vm3, v10, v12  }
0x137: {  	v10 =	vadd.f32 $1.999999960e-02, v10  }
0x138: {  	vm3 =	veq.s32 v2, $0x0  }
0x139: {  	v10 =	vsel vm3, $0x0, v10  }
0x13a: {  	v61 =	vperm.xlane v10, v3;
	_ =	sdelay $0x1  }
0x13b: {  	v12 =	vsel vm3, $0x0, v61  }
0x13c: {  	v10 =	vadd.f32 v10, v12;
	_ =	sdelay $0x1  }
0x13d: {  	v12 =	vperm.xlane v10, v4;
	_ =	sdelay $0x1  }
0x13e: {  	v12 =	vsel vm0, $0x0, v12  }
0x13f: {  	v10 =	vadd.f32 v10, v12;
	_ =	sdelay $0x1  }
0x140: {  	v12 =	vperm.xlane v10, v5;
	_ =	sdelay $0x1  }
0x141: {  	v12 =	vsel vm1, $0x0, v12  }
0x142: {  	v10 =	vadd.f32 v10, v12;
	_ =	sdelay $0x1  }
0x143: {  	v12 =	vperm.xlane v10, v6;
	_ =	sdelay $0x1  }
0x144: {  	v12 =	vsel vm2, $0x0, v12  }
0x145: {  	v10 =	vadd.f32 v10, v12;
	_ =	sdelay $0x1  }
0x146: {  	v12 =	vperm.xlane v10, v8;
	_ =	sdelay $0x1  }
0x147: {  	v12 =	vmax.f32 v12, $9.999999970e-07  }
0x148: {  	(erf) = vrcp.f32 v12;
	_ =	sdelay $0x7  }
0x149: {  	v11 =	vmul.f32 $2.500000040e-02, v11  }
0x14a: {  	v12 =	vpop (erf)  }
0x14b: {  	v62 =	vsub.f32 $1.000000000e+00, v11;
	v10 =	vmul.f32 v10, v12;
	_ =	sdelay $0x1  }
0x14c: {  	v10 =	vmul.f32 v10, v62;
	_ =	sdelay $0x1  }
0x14d: {  	v11 =	vadd.f32 v10, v11;
	_ =	sdelay $0x1  }
0x14e: {  	v10 =	vperm.xlane v11, v7;
	_ =	sdelay $0x1  }
0x14f: {  	v10 =	vsub.f32 v10, v11;
	_ =	sdelay $0x1  }
0x150: {  	v63 =	vmul.f32 v9, v10;
	_ =	sdelay $0x1  }
0x151: {  	v11 =	vadd.f32 v63, v11  }
0x152: {  	s30 =	simm.s32 $0x0  }
.LBB2_13:
0x153: {  	_ =	swait.ge [sflag:s21], $0x4000  }
0x154: {  	p0 =	seq.s32 s30, $0x0;
	s3 =	simm.s32 $0x0;
	[sflag:s21] =	ssyncset.done $0x0  }
0x155: {  	s6 =	simm.s32 $0x0;
	s1 =	simm.s32 @!p0 $0x3;
	[sflag:s21] =	ssyncadd.s32 $0xFFFFC000  }
0x156: {  	s7 =	sand.u32 $0xC00, s29;
	s3 =	sand.u32 $0x3000, s3;
	_ =	swait.ge @!p0 [sflag:s1], $0x4000  }
0x157: {  	s6 =	sand.u32 $0x380, s6;
	s3 =	sor.u32 s7, s3;
	[sflag:s1] =	ssyncset.done @!p0 $0x0  }
0x158: {  	s3 =	sor.u32 s6, s3;
	[sflag:s1] =	ssyncadd.s32 @!p0 $0xFFFFC000  }
0x159: {  	v12 =	vld [tilespmem:s3+$0xF0]  }
0x15a: {  	v15 =	vld [tilespmem:s3+$0xD0]  }
0x15b: {  	v16 =	vld [tilespmem:s3+$0xC0]  }
0x15c: {  	v18 =	vld [tilespmem:s3+$0xB0]  }
0x15d: {  	v14 =	vld [tilespmem:s3+$0xE0];
	_ =	sdelay $0x1  }
0x15e: {  	v21 =	vld [tilespmem:s3+$0x80]  }
0x15f: {  	v13 =	vmul.f32 $1.500000000e+01, v12;
	v17 =	vmul.f32 $1.500000000e+01, v15  }
0x160: {  	v22 =	vld [tilespmem:s3+$0xA0];
	v19 =	vmul.f32 $1.500000000e+01, v16;
	v12 =	vmul.f32 $1.500000000e+01, v18  }
0x161: {  	v20 =	vmul.f32 $1.500000000e+01, v14;
	v14 =	vld [tilespmem:s3+$0x90];
	v15 =	vtrunc.f32 v17  }
0x162: {  	v18 =	vtrunc.f32 v19;
	v25 =	vtrunc.f32 v12  }
0x163: {  	v16 =	vcvt.f32.s32 v15;
	v15 =	vmul.f32 $1.500000000e+01, v21  }
0x164: {  	v21 =	vtrunc.f32 v20;
	v18 =	vcvt.f32.s32 v18  }
0x165: {  	v30 =	vcvt.f32.s32 v25;
	v23 =	vcvt.f32.s32 v21  }
0x166: {  	v29 =	vand.u32 $0xF, v16;
	v16 =	vmul.f32 $1.500000000e+01, v22;
	v14 =	vmul.f32 $1.500000000e+01, v14  }
0x167: {  	v24 =	vtrunc.f32 v15;
	v28 =	vand.u32 $0xF, v18;
	v21 =	vperm.xlane v11, v29  }
0x168: {  	v22 =	vand.u32 $0xF, v23;
	v25 =	vperm.xlane v10, v29;
	v29 =	vtrunc.f32 v13  }
0x169: {  	v18 =	vand.u32 $0xF, v30;
	v30 =	vperm.xlane v10, v28;
	v27 =	vperm.xlane v10, v22  }
0x16a: {  	v26 =	vtrunc.f32 v14;
	v23 =	vtrunc.f32 v16  }
0x16b: {  	s6 =	simm.s32 $0x0;
	s1 =	simm.s32 $0x0;
	v22 =	vperm.xlane v11, v22;
	v29 =	vcvt.f32.s32 v29  }
.LBB2_14:
0x16c: {  	s1 =	sadd.s32 $0x8, s1;
	v31 =	vperm.xlane v11, v18;
	v28 =	vperm.xlane v11, v28;
	s6 =	sadd.s32 $0x400, s6  }
0x16d: {  	v20 =	vmul.f32 v27, v20;
	s7 =	sshll.u32 s1, $0x4;
	s8 =	sshll.u32 s1, $0x2;
	p1 =	slt.u32 s1, $0x3F8;
	v19 =	vmul.f32 v30, v19  }
0x16e: {  	v24 =	vcvt.f32.s32 v24;
	v26 =	vcvt.f32.s32 v26;
	s12 =	sand.u32 $0xC00, s6;
	v27 =	vand.u32 $0xF, v29;
	s7 =	sand.u32 $0x3000, s7  }
0x16f: {  	v23 =	vcvt.f32.s32 v23;
	s8 =	sand.u32 $0x380, s8;
	v29 =	vperm.xlane v11, v27;
	s7 =	sor.u32 s12, s7  }
0x170: {  	v17 =	vmul.f32 v25, v17;
	v20 =	vadd.f32 v20, v22;
	v22 =	vperm.xlane v10, v27;
	s7 =	sor.u32 s8, s7  }
0x171: {  	v24 =	vand.u32 $0xF, v24;
	v26 =	vand.u32 $0xF, v26;
	v23 =	vand.u32 $0xF, v23;
	v25 =	vld [tilespmem:s7+$0xF0]  }
0x172: {  	v17 =	vadd.f32 v17, v21;
	v30 =	vperm.xlane v11, v24;
	v32 =	vperm.xlane v11, v26;
	v27 =	vld [tilespmem:s7+$0xE0];
	[tilespmem:s3+$0x80E0] =	vst v20  }
0x173: {  	v21 =	vperm.xlane v10, v24;
	v19 =	vadd.f32 v19, v28;
	v13 =	vmul.f32 v22, v13;
	v20 =	vld [tilespmem:s7+$0xD0]  }
0x174: {  	v24 =	vperm.xlane v10, v26;
	v26 =	vperm.xlane v10, v23;
	v22 =	vld [tilespmem:s7+$0xC0];
	[tilespmem:s3+$0x80D0] =	vst v17  }
0x175: {  	v15 =	vmul.f32 v21, v15;
	v21 =	vperm.xlane v11, v23;
	v17 =	vadd.f32 v13, v29;
	v28 =	vld [tilespmem:s7+$0xB0];
	[tilespmem:s3+$0x80C0] =	vst v19  }
0x176: {  	v18 =	vperm.xlane v10, v18;
	v16 =	vmul.f32 v26, v16;
	v23 =	vld [tilespmem:s7+$0xA0]  }
0x177: {  	v14 =	vmul.f32 v24, v14;
	v15 =	vadd.f32 v15, v30;
	v13 =	vmul.f32 $1.500000000e+01, v25;
	v26 =	vld [tilespmem:s7+$0x80];
	[tilespmem:s3+$0x80F0] =	vst v17  }
0x178: {  	v18 =	vmul.f32 v18, v12;
	v16 =	vadd.f32 v16, v21;
	v17 =	vmul.f32 $1.500000000e+01, v20  }
0x179: {  	v14 =	vadd.f32 v14, v32;
	v20 =	vmul.f32 $1.500000000e+01, v27;
	v19 =	vmul.f32 $1.500000000e+01, v22;
	[tilespmem:s3+$0x8080] =	vst v15  }
0x17a: {  	v21 =	vld [tilespmem:s7+$0x90];
	v12 =	vmul.f32 $1.500000000e+01, v28;
	v15 =	vtrunc.f32 v17;
	[tilespmem:s3+$0x80A0] =	vst v16;
	v16 =	vadd.f32 v18, v31  }
0x17b: {  	v18 =	vtrunc.f32 v19;
	v22 =	vcvt.f32.s32 v15;
	[tilespmem:s3+$0x8090] =	vst v14  }
0x17c: {  	v14 =	vtrunc.f32 v20;
	v15 =	vmul.f32 $1.500000000e+01, v26;
	[tilespmem:s3+$0x80B0] =	vst v16;
	s3 =	smov.u32 s7  }
0x17d: {  	v25 =	vtrunc.f32 v12;
	v29 =	vand.u32 $0xF, v22;
	v22 =	vcvt.f32.s32 v14  }
0x17e: {  	v16 =	vmul.f32 $1.500000000e+01, v23;
	v18 =	vcvt.f32.s32 v18  }
0x17f: {  	v14 =	vmul.f32 $1.500000000e+01, v21;
	v21 =	vperm.xlane v11, v29;
	v22 =	vand.u32 $0xF, v22  }
.Ltmp9:
0x180: {  	v24 =	vtrunc.f32 v15;
	v28 =	vand.u32 $0xF, v18;
	v27 =	vperm.xlane v10, v22;
	(pc) =	sbr.rel @p1 .LBB2_14-.Ltmp9, $4  }
0x181: {  	v23 =	vtrunc.f32 v16;
	v26 =	vtrunc.f32 v14  }
0x182: {  	v18 =	vcvt.f32.s32 v25;
	v22 =	vperm.xlane v11, v22  }
0x183: {  	v25 =	vperm.xlane v10, v29;
	v29 =	vtrunc.f32 v13  }
0x184: {  	v30 =	vperm.xlane v10, v28;
	v18 =	vand.u32 $0xF, v18;
	v29 =	vcvt.f32.s32 v29  }
0x185: {  	v28 =	vperm.xlane v11, v28;
	v20 =	vmul.f32 v27, v20  }
0x186: {  	v24 =	vcvt.f32.s32 v24;
	v26 =	vcvt.f32.s32 v26  }
0x187: {  	v23 =	vcvt.f32.s32 v23;
	v17 =	vmul.f32 v25, v17  }
0x188: {  	v61 =	vperm.xlane v10, v18;
	v62 =	vperm.xlane v11, v18;
	v54 =	vand.u32 $0xF, v29  }
0x189: {  	v19 =	vmul.f32 v30, v19;
	v29 =	vperm.xlane v11, v54  }
0x18a: {  	v55 =	vperm.xlane v10, v54;
	v24 =	vand.u32 $0xF, v24;
	v20 =	vadd.f32 v20, v22  }
0x18b: {  	v56 =	vand.u32 $0xF, v26;
	v23 =	vand.u32 $0xF, v23;
	v12 =	vmul.f32 v61, v12  }
0x18c: {  	v17 =	vadd.f32 v17, v21;
	v57 =	vperm.xlane v11, v24;
	v24 =	vperm.xlane v10, v24  }
0x18d: {  	v59 =	vperm.xlane v10, v23;
	v19 =	vadd.f32 v19, v28;
	v13 =	vmul.f32 v55, v13;
	[tilespmem:s3+$0x80E0] =	vst v20  }
0x18e: {  	v58 =	vperm.xlane v10, v56;
	[tilespmem:s3+$0x80D0] =	vst v17;
	v12 =	vadd.f32 v12, v62;
	v15 =	vmul.f32 v24, v15  }
0x18f: {  	v60 =	vperm.xlane v11, v23;
	v16 =	vmul.f32 v59, v16;
	[tilespmem:s3+$0x80C0] =	vst v19;
	v13 =	vadd.f32 v13, v29  }
0x190: {  	p1 =	sne.s32 s30, $0x7;
	v22 =	vperm.xlane v11, v56;
	v14 =	vmul.f32 v58, v14;
	[tilespmem:s3+$0x80B0] =	vst v12;
	v15 =	vadd.f32 v15, v57  }
.Ltmp10:
0x191: {  	s31 =	sshll.u32 s30, $0xF;
	v63 =	vadd.f32 v16, v60;
	[tilespmem:s3+$0x80F0] =	vst v13;
	(pc) =	sbr.rel @p1 .LBB2_17-.Ltmp10, $4  }
0x192: {  	s1 =	sor.u32 s11, s31;
	v14 =	vadd.f32 v14, v22;
	[tilespmem:s3+$0x8080] =	vst v15  }
0x193: {  	s1 =	sshrl.u32 s1, $0x3;
	[tilespmem:s3+$0x80A0] =	vst v63  }
0x194: {  	s13 =	sadd.s32 s2, s1;
	[tilespmem:s3+$0x8090] =	vst v14  }
0x195: {  	[hbm4b:s13+s4] =	stream.linear.scatter [tilespmem:s22], [sflag:$0x3], $0x4000, $0x38;
	[tilespmem:$0x10080] =	vst v63  }
.Ltmp11:
0x196: {  	(pc) =	sbr.rel .LBB2_18-.Ltmp11, $4  }
0x197: {  	_ = 	snop  }
0x198: {  	_ =	swait.ge [sflag:s23], $0x4000  }
0x199: {  	[sflag:s23] =	ssyncset.done $0x0  }
0x19a: {  	[sflag:s23] =	ssyncadd.s32 $0xFFFFC000  }
.LBB2_17:
0x19b: {  	s3 =	sadd.s32 s31, s15  }
0x19c: {  	s3 =	sshrl.u32 s3, $0x3  }
.Ltmp12:
0x19d: {  	s3 =	sadd.s32 s0, s3;
	(pc) =	sbr.rel @p0 .LBB2_19-.Ltmp12, $4  }
0x19e: {  	[tilespmem:s18], [sflag:$0x1] =	stream.linear.gather [hbm4b:s3+s4], $0x4000, $0x38;
	[tilespmem:$0x10080] =	vst v63  }
0x19f: {  	_ =	swait.ge [sflag:s23], $0x4000  }
0x1a0: {  	[sflag:s23] =	ssyncset.done $0x0  }
0x1a1: {  	[sflag:s23] =	ssyncadd.s32 $0xFFFFC000  }
.LBB2_18:
0x1a2: {  	_ =	swait.ge [sflag:s24], $0x4000  }
0x1a3: {  	[sflag:s24] =	ssyncset.done $0x0  }
0x1a4: {  	[sflag:s24] =	ssyncadd.s32 $0xFFFFC000  }
.LBB2_19:
0x1a5: {  	s6 =	simm.s32 $0x0;
	s3 =	simm.s32 $0x0  }
0x1a6: {  	s7 =	simm.s32 $0x0;
	s3 =	sand.u32 $0x3000, s3;
	s8 =	sand.u32 $0xC00, s6  }
0x1a7: {  	s7 =	sand.u32 $0x380, s7;
	s3 =	sor.u32 s8, s3  }
0x1a8: {  	s3 =	sor.u32 s7, s3  }
0x1a9: {  	v12 =	vld [tilespmem:s3+$0x40F0]  }
0x1aa: {  	v15 =	vld [tilespmem:s3+$0x40D0]  }
0x1ab: {  	v16 =	vld [tilespmem:s3+$0x40C0]  }
0x1ac: {  	v18 =	vld [tilespmem:s3+$0x40B0]  }
0x1ad: {  	v14 =	vld [tilespmem:s3+$0x40E0];
	_ =	sdelay $0x1  }
0x1ae: {  	v21 =	vld [tilespmem:s3+$0x4080]  }
0x1af: {  	v13 =	vmul.f32 $1.500000000e+01, v12;
	v17 =	vmul.f32 $1.500000000e+01, v15  }
0x1b0: {  	v22 =	vld [tilespmem:s3+$0x40A0];
	v19 =	vmul.f32 $1.500000000e+01, v16;
	v12 =	vmul.f32 $1.500000000e+01, v18  }
0x1b1: {  	v20 =	vmul.f32 $1.500000000e+01, v14;
	v14 =	vld [tilespmem:s3+$0x4090];
	v15 =	vtrunc.f32 v17  }
0x1b2: {  	v18 =	vtrunc.f32 v19;
	v25 =	vtrunc.f32 v12  }
0x1b3: {  	v16 =	vcvt.f32.s32 v15;
	v15 =	vmul.f32 $1.500000000e+01, v21  }
0x1b4: {  	v21 =	vtrunc.f32 v20;
	v18 =	vcvt.f32.s32 v18  }
0x1b5: {  	v30 =	vcvt.f32.s32 v25;
	v23 =	vcvt.f32.s32 v21  }
0x1b6: {  	v29 =	vand.u32 $0xF, v16;
	v16 =	vmul.f32 $1.500000000e+01, v22;
	v14 =	vmul.f32 $1.500000000e+01, v14  }
0x1b7: {  	v24 =	vtrunc.f32 v15;
	v28 =	vand.u32 $0xF, v18;
	v21 =	vperm.xlane v11, v29  }
0x1b8: {  	v22 =	vand.u32 $0xF, v23;
	v25 =	vperm.xlane v10, v29;
	v29 =	vtrunc.f32 v13  }
0x1b9: {  	v18 =	vand.u32 $0xF, v30;
	v30 =	vperm.xlane v10, v28;
	v27 =	vperm.xlane v10, v22  }
0x1ba: {  	v26 =	vtrunc.f32 v14;
	v23 =	vtrunc.f32 v16  }
0x1bb: {  	s7 =	simm.s32 $0x0;
	v22 =	vperm.xlane v11, v22;
	v29 =	vcvt.f32.s32 v29  }
.LBB2_20:
0x1bc: {  	s7 =	sadd.s32 $0x8, s7;
	v31 =	vperm.xlane v11, v18;
	v28 =	vperm.xlane v11, v28;
	s6 =	sadd.s32 $0x400, s6  }
0x1bd: {  	v20 =	vmul.f32 v27, v20;
	s8 =	sshll.u32 s7, $0x4;
	s12 =	sshll.u32 s7, $0x2;
	p0 =	slt.u32 s7, $0x3F8;
	v19 =	vmul.f32 v30, v19  }
0x1be: {  	v24 =	vcvt.f32.s32 v24;
	v26 =	vcvt.f32.s32 v26;
	s13 =	sand.u32 $0xC00, s6;
	v27 =	vand.u32 $0xF, v29;
	s8 =	sand.u32 $0x3000, s8  }
0x1bf: {  	v23 =	vcvt.f32.s32 v23;
	s12 =	sand.u32 $0x380, s12;
	v29 =	vperm.xlane v11, v27;
	s8 =	sor.u32 s13, s8  }
0x1c0: {  	v17 =	vmul.f32 v25, v17;
	v20 =	vadd.f32 v20, v22;
	v22 =	vperm.xlane v10, v27;
	s8 =	sor.u32 s12, s8  }
0x1c1: {  	v24 =	vand.u32 $0xF, v24;
	v26 =	vand.u32 $0xF, v26;
	v23 =	vand.u32 $0xF, v23;
	v25 =	vld [tilespmem:s8+$0x40F0]  }
0x1c2: {  	v17 =	vadd.f32 v17, v21;
	v30 =	vperm.xlane v11, v24;
	v32 =	vperm.xlane v11, v26;
	v27 =	vld [tilespmem:s8+$0x40E0];
	[tilespmem:s3+$0xC0E0] =	vst v20  }
0x1c3: {  	v21 =	vperm.xlane v10, v24;
	v19 =	vadd.f32 v19, v28;
	v13 =	vmul.f32 v22, v13;
	v20 =	vld [tilespmem:s8+$0x40D0]  }
0x1c4: {  	v24 =	vperm.xlane v10, v26;
	v26 =	vperm.xlane v10, v23;
	v22 =	vld [tilespmem:s8+$0x40C0];
	[tilespmem:s3+$0xC0D0] =	vst v17  }
0x1c5: {  	v15 =	vmul.f32 v21, v15;
	v21 =	vperm.xlane v11, v23;
	v17 =	vadd.f32 v13, v29;
	v28 =	vld [tilespmem:s8+$0x40B0];
	[tilespmem:s3+$0xC0C0] =	vst v19  }
0x1c6: {  	v18 =	vperm.xlane v10, v18;
	v16 =	vmul.f32 v26, v16;
	v23 =	vld [tilespmem:s8+$0x40A0]  }
0x1c7: {  	v14 =	vmul.f32 v24, v14;
	v15 =	vadd.f32 v15, v30;
	v13 =	vmul.f32 $1.500000000e+01, v25;
	v26 =	vld [tilespmem:s8+$0x4080];
	[tilespmem:s3+$0xC0F0] =	vst v17  }
0x1c8: {  	v18 =	vmul.f32 v18, v12;
	v16 =	vadd.f32 v16, v21;
	v17 =	vmul.f32 $1.500000000e+01, v20  }
0x1c9: {  	v14 =	vadd.f32 v14, v32;
	v20 =	vmul.f32 $1.500000000e+01, v27;
	v19 =	vmul.f32 $1.500000000e+01, v22;
	[tilespmem:s3+$0xC080] =	vst v15  }
0x1ca: {  	v21 =	vld [tilespmem:s8+$0x4090];
	v12 =	vmul.f32 $1.500000000e+01, v28;
	v15 =	vtrunc.f32 v17;
	[tilespmem:s3+$0xC0A0] =	vst v16;
	v16 =	vadd.f32 v18, v31  }
0x1cb: {  	v18 =	vtrunc.f32 v19;
	v22 =	vcvt.f32.s32 v15;
	[tilespmem:s3+$0xC090] =	vst v14  }
0x1cc: {  	v14 =	vtrunc.f32 v20;
	v15 =	vmul.f32 $1.500000000e+01, v26;
	[tilespmem:s3+$0xC0B0] =	vst v16;
	s3 =	smov.u32 s8  }
0x1cd: {  	v25 =	vtrunc.f32 v12;
	v29 =	vand.u32 $0xF, v22;
	v22 =	vcvt.f32.s32 v14  }
0x1ce: {  	v16 =	vmul.f32 $1.500000000e+01, v23;
	v18 =	vcvt.f32.s32 v18  }
0x1cf: {  	v14 =	vmul.f32 $1.500000000e+01, v21;
	v21 =	vperm.xlane v11, v29;
	v22 =	vand.u32 $0xF, v22  }
.Ltmp13:
0x1d0: {  	v24 =	vtrunc.f32 v15;
	v28 =	vand.u32 $0xF, v18;
	v27 =	vperm.xlane v10, v22;
	(pc) =	sbr.rel @p0 .LBB2_20-.Ltmp13, $4  }
0x1d1: {  	v23 =	vtrunc.f32 v16;
	v26 =	vtrunc.f32 v14  }
0x1d2: {  	v18 =	vcvt.f32.s32 v25;
	v22 =	vperm.xlane v11, v22  }
0x1d3: {  	v25 =	vperm.xlane v10, v29;
	v29 =	vtrunc.f32 v13  }
0x1d4: {  	v30 =	vperm.xlane v10, v28;
	v18 =	vand.u32 $0xF, v18;
	v29 =	vcvt.f32.s32 v29  }
0x1d5: {  	v28 =	vperm.xlane v11, v28;
	v20 =	vmul.f32 v27, v20  }
0x1d6: {  	v24 =	vcvt.f32.s32 v24;
	v26 =	vcvt.f32.s32 v26  }
0x1d7: {  	v23 =	vcvt.f32.s32 v23;
	v17 =	vmul.f32 v25, v17  }
0x1d8: {  	v61 =	vperm.xlane v10, v18;
	v62 =	vperm.xlane v11, v18;
	v54 =	vand.u32 $0xF, v29  }
0x1d9: {  	v19 =	vmul.f32 v30, v19;
	v29 =	vperm.xlane v11, v54  }
0x1da: {  	v55 =	vperm.xlane v10, v54;
	v24 =	vand.u32 $0xF, v24;
	v20 =	vadd.f32 v20, v22  }
0x1db: {  	v56 =	vand.u32 $0xF, v26;
	v23 =	vand.u32 $0xF, v23;
	v12 =	vmul.f32 v61, v12  }
0x1dc: {  	v17 =	vadd.f32 v17, v21;
	v57 =	vperm.xlane v11, v24;
	v24 =	vperm.xlane v10, v24  }
0x1dd: {  	v59 =	vperm.xlane v10, v23;
	v19 =	vadd.f32 v19, v28;
	v13 =	vmul.f32 v55, v13;
	[tilespmem:s3+$0xC0E0] =	vst v20  }
0x1de: {  	v58 =	vperm.xlane v10, v56;
	[tilespmem:s3+$0xC0D0] =	vst v17;
	v12 =	vadd.f32 v12, v62;
	v15 =	vmul.f32 v24, v15  }
0x1df: {  	v60 =	vperm.xlane v11, v23;
	v16 =	vmul.f32 v59, v16;
	[tilespmem:s3+$0xC0C0] =	vst v19;
	v13 =	vadd.f32 v13, v29  }
0x1e0: {  	p0 =	seq.s32 s30, $0x7;
	v22 =	vperm.xlane v11, v56;
	v14 =	vmul.f32 v58, v14;
	[tilespmem:s3+$0xC0B0] =	vst v12;
	v15 =	vadd.f32 v15, v57  }
.Ltmp14:
0x1e1: {  	v63 =	vadd.f32 v16, v60;
	[tilespmem:s3+$0xC0F0] =	vst v13;
	(pc) =	sbr.rel @p0 .LBB2_23-.Ltmp14, $4  }
0x1e2: {  	v14 =	vadd.f32 v14, v22;
	[tilespmem:s3+$0xC080] =	vst v15  }
0x1e3: {  	s1 =	sadd.s32 s1, s2;
	[tilespmem:s3+$0xC0A0] =	vst v63  }
0x1e4: {  	s1 =	sadd.s32 $0x800, s1;
	[tilespmem:s3+$0xC090] =	vst v14  }
0x1e5: {  	[hbm4b:s1+s4] =	stream.linear.scatter [tilespmem:s25], [sflag:$0x4], $0x4000, $0x38;
	[tilespmem:$0x10080] =	vst v63  }
.Ltmp15:
0x1e6: {  	(pc) =	sbr.rel .LBB2_13-.Ltmp15, $4  }
0x1e7: {  	s1 =	sadd.s32 s31, s16  }
0x1e8: {  	s1 =	sshrl.u32 s1, $0x3  }
0x1e9: {  	s30 =	sadd.s32 $0x1, s30;
	s1 =	sadd.s32 s0, s1  }
0x1ea: {  	[tilespmem:s19], [sflag:$0x2] =	stream.linear.gather [hbm4b:s1+s4], $0x4000, $0x38;
	[tilespmem:$0x10080] =	vst v63  }
.LBB2_24:
0x1eb: {  	_ =	sfence.sel $0x180000  }
0x1ec: {  	[bflag:$0x0] =	sbarrier.arrive $0xFFFF  }
0x1ed: {  	_ =	strace $0x90000047  }
0x1ee: {  	s0 =	stileid.u32;
	[bflag:$0x2] =	sbarrier.arrive $0xFFFF  }
0x1ef: {  	p0 =	sne.s32 s0, $0x0;
	s0 =	rddreg [dreg:$0x3]  }
0x1f0: {  	s0 =	sadd.s32 @!p0 $0x100000, s0  }
0x1f1: {  	[sflag:s0] =	ssyncadd.tile.s32 @!p0 $0x1;
	_ =	shalt  }
.Lfunc_end2:
_tile_overlayer_lowered:
.L_overlay_start_2:
0x1f2: {  	(tag) =	ssettag $0x2  }
0x1f3: {  	s0 =	rddreg [dreg:$0x0];
	s2 =	stileid.u32  }
0x1f4: {  	s1 =	rddreg [dreg:$0x1];
	p0 =	sne.s32 s2, $0x0  }
0x1f5: {  	s3 =	rddreg [dreg:$0x2];
	[bflag:$0x3] =	sbarrier.arrive $0xFFFF;
	s2 =	simm.s32 @!p0 $0x1C05  }
0x1f6: {  	[timem:s3], [sflag:s2] =	dma.local @!p0 [hbm:s0], s1  }
0x1f7: {  	s0 =	simm.s32 @!p0 $0x5  }
0x1f8: {  	_ =	swait.ge @!p0 [sflag:s0], s1  }
0x1f9: {  	s1 =	ssub.s32 @!p0 $0x0, s1;
	[sflag:s0] =	ssyncset.done @!p0 $0x0  }
0x1fa: {  	[sflag:s0] =	ssyncadd.s32 @!p0 s1  }
0x1fb: {  	[bflag:$0x3] =	sbarrier.arrive $0xFFFF  }
0x1fc: {  	_ =	shalt  }

</sc_bundles>
